<compile_context>
chip_gen: v7x
topology: tpu7x:2x2x1
jax: 0.10.2.dev20260603
libtpu: 0.0.44.dev20260713+nightly
codegen_flags: <defaults>
</compile_context>

<pallas_src>
import jax
import jax.numpy as jnp
from jax.experimental import pallas as pl

N = 33
E = 545
T = 512
TB = 32
KB = 2816


def _lrelu(v):
    return jnp.maximum(v, 0.2 * v)


def _elu(v):
    return jnp.where(v > 0, v, jnp.exp(v) - 1.0)


def _gat_body(x_ref, gs_ref, gd_ref, gdt_ref, ea_ref, wl1_ref, wr1_ref,
              we1_ref, a1_ref, r1_ref, b1_ref, wlr2_ref, we2_ref, att2_ref,
              b2_ref, out_ref):
    f32 = jnp.float32
    P = 4
    gs = gs_ref[...]
    gd = gd_ref[...]
    gdt = gdt_ref[...]
    ea = ea_ref[...]
    a1 = a1_ref[...]
    r1 = r1_ref[...]
    att2c = att2_ref[...]
    wl1 = wl1_ref[...]
    wr1 = wr1_ref[...]
    wlr2 = wlr2_ref[...]
    b1 = b1_ref[...]
    b2 = b2_ref[...]

    def blockdiag(m):
        rows, cols = m.shape
        zc = jnp.zeros((rows, cols), f32)
        outr = []
        for i in range(P):
            outr.append(jnp.concatenate(
                [m if j == i else zc for j in range(P)], axis=1))
        return jnp.concatenate(outr, axis=0)

    a1p = blockdiag(a1)
    r1p = blockdiag(r1)
    att2p = blockdiag(att2c)
    b1p = jnp.concatenate([b1] * P, axis=1)
    b2p = jnp.concatenate([b2] * P, axis=1)

    e1 = (ea[:, 0:1] * we1_ref[0:1, :] + ea[:, 1:2] * we1_ref[1:2, :]
          + ea[:, 2:3] * we1_ref[2:3, :])
    e2 = (ea[:, 0:1] * we2_ref[0:1, :] + ea[:, 1:2] * we2_ref[1:2, :]
          + ea[:, 2:3] * we2_ref[2:3, :])
    e1p = jnp.concatenate([e1] * P, axis=1)
    e2p = jnp.concatenate([e2] * P, axis=1)

    def per_pack(i, carry):
        t = P * i
        xt = jnp.concatenate([x_ref[t + j] for j in range(P)], axis=1)
        xsd = jnp.dot(gs, xt, preferred_element_type=f32)
        xdd = jnp.dot(gd, xt, preferred_element_type=f32)
        xlsp = jnp.concatenate(
            [xsd[:, 2 * j:2 * j + 1] * wl1[0:1, :]
             + xsd[:, 2 * j + 1:2 * j + 2] * wl1[1:2, :] for j in range(P)],
            axis=1)
        xrdp = jnp.concatenate(
            [xdd[:, 2 * j:2 * j + 1] * wr1[0:1, :]
             + xdd[:, 2 * j + 1:2 * j + 2] * wr1[1:2, :] for j in range(P)],
            axis=1)
        m1 = _lrelu(xlsp + xrdp + e1p)
        al1 = jnp.dot(m1, a1p, preferred_element_type=f32)
        amax1 = jnp.max(al1, axis=0, keepdims=True)
        p1 = jnp.exp(al1 - amax1)
        s1 = jnp.dot(gdt, p1, preferred_element_type=f32)
        den1 = jnp.dot(gd, s1, preferred_element_type=f32)
        aln1 = p1 / (den1 + 1e-16)
        ab1 = jnp.dot(aln1, r1p, preferred_element_type=f32)
        h1p = _elu(jnp.dot(gdt, xlsp * ab1,
                           preferred_element_type=f32) + b1p)

        h1r = jnp.concatenate(
            [h1p[:, 512 * j:512 * (j + 1)] for j in range(P)], axis=0)
        lrr = jnp.dot(h1r, wlr2, preferred_element_type=f32)
        xl2p = jnp.concatenate(
            [lrr[N * j:N * (j + 1), 0:512] for j in range(P)], axis=1)
        xr2p = jnp.concatenate(
            [lrr[N * j:N * (j + 1), 512:1024] for j in range(P)], axis=1)
        xls2 = jnp.dot(gs, xl2p, preferred_element_type=f32)
        xrd2 = jnp.dot(gd, xr2p, preferred_element_type=f32)
        m2 = _lrelu(xls2 + xrd2 + e2p)
        al2 = jnp.dot(m2, att2p, preferred_element_type=f32)
        amax2 = jnp.max(al2, axis=0, keepdims=True)
        p2 = jnp.exp(al2 - amax2)
        s2 = jnp.dot(gdt, p2, preferred_element_type=f32)
        den2 = jnp.dot(gd, s2, preferred_element_type=f32)
        aln2 = p2 / (den2 + 1e-16)
        msg2 = jnp.concatenate(
            [xls2[:, 512 * j:512 * (j + 1)] * aln2[:, j:j + 1]
             for j in range(P)], axis=1)
        h2p = _elu(jnp.dot(gdt, msg2,
                           preferred_element_type=f32) + b2p)
        for j in range(P):
            out_ref[t + j] = h2p[:, 512 * j:512 * (j + 1)]
        return carry

    jax.lax.fori_loop(0, TB // P, per_pack, 0)


def _proj_body(xl_ref, w_ref, b_ref, out_ref):
    k = pl.program_id(0)
    part = jnp.dot(xl_ref[...], w_ref[...], preferred_element_type=jnp.float32)

    @pl.when(k == 0)
    def _():
        out_ref[...] = part + b_ref[...]

    @pl.when(k > 0)
    def _():
        out_ref[...] += part


def _lstm_body(xp_ref, whh1_ref, wih2_ref, whh2_ref, b2_ref, wfc_ref,
               bfc_ref, out_ref):
    whh1 = whh1_ref[...]
    wih2 = wih2_ref[...]
    whh2 = whh2_ref[...]
    b2 = b2_ref[...]

    w12 = jnp.concatenate([wih2, whh2], axis=0)

    def outer(t8, carry):
        h1, c1, h2, c2 = carry
        blk = xp_ref[t8]
        for j in range(8):
            xt = blk[j:j + 1, :]
            g1 = xt + jnp.dot(h1, whh1, preferred_element_type=jnp.float32)
            i1 = jax.nn.sigmoid(g1[:, 0:128])
            f1 = jax.nn.sigmoid(g1[:, 128:256])
            gg1 = jnp.tanh(g1[:, 256:384])
            o1 = jax.nn.sigmoid(g1[:, 384:512])
            c1 = f1 * c1 + i1 * gg1
            h1 = o1 * jnp.tanh(c1)
            h12 = jnp.concatenate([h1, h2], axis=1)
            g2 = jnp.dot(h12, w12, preferred_element_type=jnp.float32) + b2
            i2 = jax.nn.sigmoid(g2[:, 0:64])
            f2 = jax.nn.sigmoid(g2[:, 64:128])
            gg2 = jnp.tanh(g2[:, 128:192])
            o2 = jax.nn.sigmoid(g2[:, 192:256])
            c2 = f2 * c2 + i2 * gg2
            h2 = o2 * jnp.tanh(c2)
        return (h1, c1, h2, c2)

    z1 = jnp.zeros((1, 128), jnp.float32)
    z2 = jnp.zeros((1, 64), jnp.float32)
    _, _, h2, _ = jax.lax.fori_loop(0, T // 8, outer, (z1, z1, z2, z2))
    out_ref[...] = (jnp.dot(h2, wfc_ref[...],
                            preferred_element_type=jnp.float32) + bfc_ref[...])


def _run(x, Gs, Gd, ea, Wl1, Wr1, We1, A1, R1, b1, Wlr2, We2, att2, b2,
         Wih1, bsum1, Whh1, Wih2, Whh2, bsum2, Wfc, bfc, interpret=False):
    const = lambda *_: tuple(0 for _ in range(2))
    X = pl.pallas_call(
        _gat_body,
        grid=(T // TB,),
        in_specs=[
            pl.BlockSpec((TB, N, 2), lambda i: (i, 0, 0)),
            pl.BlockSpec((E, N), lambda i: (0, 0)),
            pl.BlockSpec((E, N), lambda i: (0, 0)),
            pl.BlockSpec((N, E), lambda i: (0, 0)),
            pl.BlockSpec((E, 3), lambda i: (0, 0)),
            pl.BlockSpec((2, 512), lambda i: (0, 0)),
            pl.BlockSpec((2, 512), lambda i: (0, 0)),
            pl.BlockSpec((3, 512), lambda i: (0, 0)),
            pl.BlockSpec((512, 8), lambda i: (0, 0)),
            pl.BlockSpec((8, 512), lambda i: (0, 0)),
            pl.BlockSpec((1, 512), lambda i: (0, 0)),
            pl.BlockSpec((512, 1024), lambda i: (0, 0)),
            pl.BlockSpec((3, 512), lambda i: (0, 0)),
            pl.BlockSpec((512, 1), lambda i: (0, 0)),
            pl.BlockSpec((1, 512), lambda i: (0, 0)),
        ],
        out_specs=pl.BlockSpec((TB, N, 512), lambda i: (i, 0, 0)),
        out_shape=jax.ShapeDtypeStruct((T, N, 512), jnp.float32),
        interpret=interpret,
    )(x, Gs, Gd, Gd.T, ea, Wl1, Wr1, We1, A1, R1, b1, Wlr2, We2,
      att2.reshape(512, 1), b2)

    Xl = jnp.transpose(X, (1, 0, 2)).reshape(T, N * 512)

    Xp = pl.pallas_call(
        _proj_body,
        grid=(N * 512 // KB,),
        in_specs=[
            pl.BlockSpec((T, KB), lambda k: (0, k)),
            pl.BlockSpec((KB, 512), lambda k: (k, 0)),
            pl.BlockSpec((1, 512), lambda k: (0, 0)),
        ],
        out_specs=pl.BlockSpec((T, 512), lambda k: (0, 0)),
        out_shape=jax.ShapeDtypeStruct((T, 512), jnp.float32),
        interpret=interpret,
    )(Xl, Wih1, bsum1)

    out = pl.pallas_call(
        _lstm_body,
        interpret=interpret,
        out_shape=jax.ShapeDtypeStruct((1, 10), jnp.float32),
    )(Xp.reshape(T // 8, 8, 512), Whh1, Wih2, Whh2, bsum2, Wfc, bfc)
    return out


def kernel(x, edge_index, edge_attr, Wl1, Wr1, We1, att1, b1, Wl2, Wr2, We2,
           att2, b2, Wih1, Whh1, bih1, bhh1, Wih2, Whh2, bih2, bhh2, Wfc,
           bfc):
    loop = jnp.arange(N, dtype=edge_index.dtype)
    src = jnp.concatenate([edge_index[0], loop])
    dst = jnp.concatenate([edge_index[1], loop])
    ea = jnp.concatenate(
        [edge_attr,
         jnp.broadcast_to(edge_attr.mean(axis=0), (N, edge_attr.shape[1]))],
        axis=0)
    ids = jnp.arange(N, dtype=jnp.int32)
    Gs = (src[:, None] == ids[None, :]).astype(jnp.float32)
    Gd = (dst[:, None] == ids[None, :]).astype(jnp.float32)
    eye8 = jnp.eye(8, dtype=jnp.float32)
    A1 = (att1[:, :, None] * eye8[:, None, :]).reshape(512, 8)
    R1 = jnp.repeat(eye8, 64, axis=1)
    Wlr2 = jnp.concatenate([Wl2, Wr2], axis=1)
    return _run(x, Gs, Gd, ea, Wl1, Wr1, We1, A1, R1, b1.reshape(1, 512),
                Wlr2, We2, att2, b2.reshape(1, 512), Wih1,
                (bih1 + bhh1).reshape(1, 512), Whh1, Wih2, Whh2,
                (bih2 + bhh2).reshape(1, 256), Wfc, bfc.reshape(1, 10))

# --- scband reference (transcript-rebuilt; emitter-appended) ---
"""Pipeline reference for scband-tgat-1271310319918 (READ-ONLY COPY).

The authoritative reference and input builder live on the scoring server;
editing this copy changes nothing except your own understanding.
"""

import jax, jax.numpy as jnp
import numpy as np

SEQ = 512
N_NODES = 33
N_EDGES = 512
N_CLASSES = 10


def _gatv2(x, src, dst, ea, Wl, Wr, We, att, b, heads, out_ch):
    n = x.shape[0]
    xl = (x @ Wl).reshape(n, heads, out_ch)
    xr = (x @ Wr).reshape(n, heads, out_ch)
    e = (ea @ We).reshape(-1, heads, out_ch)
    m = xl[src] + xr[dst] + e
    m = jax.nn.leaky_relu(m, 0.2)
    alpha = (m * att).sum(-1)
    amax = jax.ops.segment_max(alpha, dst, num_segments=n)
    alpha = jnp.exp(alpha - amax[dst])
    s = jax.ops.segment_sum(alpha, dst, num_segments=n)
    alpha = alpha / (s[dst] + 1e-16)
    out = jax.ops.segment_sum(xl[src] * alpha[..., None], dst, num_segments=n)
    return out.reshape(n, heads * out_ch) + b


def _lstm(xseq, Wih, Whh, bih, bhh):
    hidden = Whh.shape[0]
    B = xseq.shape[0]
    def step(carry, xt):
        h, c = carry
        g = xt @ Wih + h @ Whh + bih + bhh
        i, f, gg, o = jnp.split(g, 4, axis=-1)
        i = jax.nn.sigmoid(i)
        f = jax.nn.sigmoid(f)
        gg = jnp.tanh(gg)
        o = jax.nn.sigmoid(o)
        c = f * c + i * gg
        h = o * jnp.tanh(c)
        return (h, c), h
    h0 = jnp.zeros((B, hidden), xseq.dtype)
    c0 = jnp.zeros((B, hidden), xseq.dtype)
    _, hs = jax.lax.scan(step, (h0, c0), jnp.swapaxes(xseq, 0, 1))
    return jnp.swapaxes(hs, 0, 1)


def _forward(edge_index, x, edge_attr, Wl1, Wr1, We1, att1, b1, Wl2, Wr2, We2, att2, b2, Wih1, Whh1, bih1, bhh1, Wih2, Whh2, bih2, bhh2, Wfc, bfc):
    n = N_NODES
    loop = jnp.arange(n, dtype=edge_index.dtype)
    src = jnp.concatenate([edge_index[0], loop])
    dst = jnp.concatenate([edge_index[1], loop])
    ea = jnp.concatenate([edge_attr, jnp.broadcast_to(edge_attr.mean(axis=0), (n, edge_attr.shape[1]))], axis=0)

    def per_t(xt):
        h = jax.nn.elu(_gatv2(xt, src, dst, ea, Wl1, Wr1, We1, att1, b1, 8, 64))
        h = jax.nn.elu(_gatv2(h, src, dst, ea, Wl2, Wr2, We2, att2, b2, 1, 512))
        return h

    X = jax.vmap(per_t)(x)
    T = X.shape[0]
    X = jnp.transpose(X, (1, 0, 2)).reshape(1, T, n * 512)
    X = _lstm(X, Wih1, Whh1, bih1, bhh1)
    X = _lstm(X, Wih2, Whh2, bih2, bhh2)
    X = X[:, -1, :]
    return X @ Wfc + bfc


def setup_inputs(seed: int = 0):
    key = jax.random.key(seed)
    ks = jax.random.split(key, 32)
    s = 0.05
    inp = {}
    inp['x'] = jax.random.normal(ks[0], (SEQ, N_NODES, 2), dtype=jnp.float32)
    inp['edge_index'] = jax.random.randint(ks[1], (2, N_EDGES), 0, N_NODES, dtype=jnp.int32)
    inp['edge_attr'] = jax.random.normal(ks[2], (N_EDGES, 3), dtype=jnp.float32)
    inp['Wl1'] = jax.random.normal(ks[3], (2, 512), dtype=jnp.float32) * s
    inp['Wr1'] = jax.random.normal(ks[4], (2, 512), dtype=jnp.float32) * s
    inp['We1'] = jax.random.normal(ks[5], (3, 512), dtype=jnp.float32) * s
    inp['att1'] = jax.random.normal(ks[6], (8, 64), dtype=jnp.float32) * s
    inp['b1'] = jnp.zeros((512,), dtype=jnp.float32)
    inp['Wl2'] = jax.random.normal(ks[7], (512, 512), dtype=jnp.float32) * s
    inp['Wr2'] = jax.random.normal(ks[8], (512, 512), dtype=jnp.float32) * s
    inp['We2'] = jax.random.normal(ks[9], (3, 512), dtype=jnp.float32) * s
    inp['att2'] = jax.random.normal(ks[10], (1, 512), dtype=jnp.float32) * s
    inp['b2'] = jnp.zeros((512,), dtype=jnp.float32)
    inp['Wih1'] = jax.random.normal(ks[11], (N_NODES * 512, 4 * 128), dtype=jnp.float32) * 0.01
    inp['Whh1'] = jax.random.normal(ks[12], (128, 4 * 128), dtype=jnp.float32) * s
    inp['bih1'] = jnp.zeros((4 * 128,), dtype=jnp.float32)
    inp['bhh1'] = jnp.zeros((4 * 128,), dtype=jnp.float32)
    inp['Wih2'] = jax.random.normal(ks[13], (128, 4 * 64), dtype=jnp.float32) * s
    inp['Whh2'] = jax.random.normal(ks[14], (64, 4 * 64), dtype=jnp.float32) * s
    inp['bih2'] = jnp.zeros((4 * 64,), dtype=jnp.float32)
    inp['bhh2'] = jnp.zeros((4 * 64,), dtype=jnp.float32)
    inp['Wfc'] = jax.random.normal(ks[15], (64, N_CLASSES), dtype=jnp.float32) * s
    inp['bfc'] = jnp.zeros((N_CLASSES,), dtype=jnp.float32)
    return inp


def reference(x, edge_index, edge_attr, Wl1, Wr1, We1, att1, b1, Wl2, Wr2, We2, att2, b2, Wih1, Whh1, bih1, bhh1, Wih2, Whh2, bih2, bhh2, Wfc, bfc):
    return _forward(edge_index, x, edge_attr, Wl1, Wr1, We1, att1, b1, Wl2, Wr2, We2, att2, b2, Wih1, Whh1, bih1, bhh1, Wih2, Whh2, bih2, bhh2, Wfc, bfc)

if __name__ == "__main__":
    import jax
    _d = setup_inputs()
    print(jax.jit(kernel)(*tuple(_d.values())))

</pallas_src>

<mosaic_0001>
module attributes {stable_mosaic.version = 14 : i64} {
  func.func @_gat_body(%arg0: i32, %arg1: memref<32x33x2xf32, #tpu.memory_space<vmem>>, %arg2: memref<545x33xf32, #tpu.memory_space<vmem>>, %arg3: memref<545x33xf32, #tpu.memory_space<vmem>>, %arg4: memref<33x545xf32, #tpu.memory_space<vmem>>, %arg5: memref<545x3xf32, #tpu.memory_space<vmem>>, %arg6: memref<2x512xf32, #tpu.memory_space<vmem>>, %arg7: memref<2x512xf32, #tpu.memory_space<vmem>>, %arg8: memref<3x512xf32, #tpu.memory_space<vmem>>, %arg9: memref<512x8xf32, #tpu.memory_space<vmem>>, %arg10: memref<8x512xf32, #tpu.memory_space<vmem>>, %arg11: memref<1x512xf32, #tpu.memory_space<vmem>>, %arg12: memref<512x1024xf32, #tpu.memory_space<vmem>>, %arg13: memref<3x512xf32, #tpu.memory_space<vmem>>, %arg14: memref<512x1xf32, #tpu.memory_space<vmem>>, %arg15: memref<1x512xf32, #tpu.memory_space<vmem>>, %arg16: memref<32x33x512xf32, #tpu.memory_space<vmem>>) attributes {dimension_semantics = [#tpu.dimension_semantics<arbitrary>], iteration_bounds = array<i64: 16>, scalar_prefetch = 0 : i64, scratch_operands = 0 : i64, tpu.core_type = #tpu.core_type<tc>, window_params = [{transform_indices = @transform_0, window_bounds = array<i64: 32, 33, 2>}, {pipeline_mode = #tpu.pipeline_mode<synchronous>, transform_indices = @transform_1, window_bounds = array<i64: 545, 33>}, {pipeline_mode = #tpu.pipeline_mode<synchronous>, transform_indices = @transform_2, window_bounds = array<i64: 545, 33>}, {pipeline_mode = #tpu.pipeline_mode<synchronous>, transform_indices = @transform_3, window_bounds = array<i64: 33, 545>}, {pipeline_mode = #tpu.pipeline_mode<synchronous>, transform_indices = @transform_4, window_bounds = array<i64: 545, 3>}, {pipeline_mode = #tpu.pipeline_mode<synchronous>, transform_indices = @transform_5, window_bounds = array<i64: 2, 512>}, {pipeline_mode = #tpu.pipeline_mode<synchronous>, transform_indices = @transform_6, window_bounds = array<i64: 2, 512>}, {pipeline_mode = #tpu.pipeline_mode<synchronous>, transform_indices = @transform_7, window_bounds = array<i64: 3, 512>}, {pipeline_mode = #tpu.pipeline_mode<synchronous>, transform_indices = @transform_8, window_bounds = array<i64: 512, 8>}, {pipeline_mode = #tpu.pipeline_mode<synchronous>, transform_indices = @transform_9, window_bounds = array<i64: 8, 512>}, {pipeline_mode = #tpu.pipeline_mode<synchronous>, transform_indices = @transform_10, window_bounds = array<i64: 1, 512>}, {pipeline_mode = #tpu.pipeline_mode<synchronous>, transform_indices = @transform_11, window_bounds = array<i64: 512, 1024>}, {pipeline_mode = #tpu.pipeline_mode<synchronous>, transform_indices = @transform_12, window_bounds = array<i64: 3, 512>}, {pipeline_mode = #tpu.pipeline_mode<synchronous>, transform_indices = @transform_13, window_bounds = array<i64: 512, 1>}, {pipeline_mode = #tpu.pipeline_mode<synchronous>, transform_indices = @transform_14, window_bounds = array<i64: 1, 512>}, {transform_indices = @transform_15, window_bounds = array<i64: 32, 33, 512>}]} {
    %get3A = arith.constant 0 : index
    %get3A_0 = arith.constant 0 : index
    %get3A_1 = vector.load %arg2[%get3A, %get3A_0] : memref<545x33xf32, #tpu.memory_space<vmem>>, vector<545x33xf32>
    %get3A_2 = arith.constant 0 : index
    %get3A_3 = arith.constant 0 : index
    %get3A_4 = vector.load %arg3[%get3A_2, %get3A_3] : memref<545x33xf32, #tpu.memory_space<vmem>>, vector<545x33xf32>
    %get3A_5 = arith.constant 0 : index
    %get3A_6 = arith.constant 0 : index
    %get3A_7 = vector.load %arg4[%get3A_5, %get3A_6] : memref<33x545xf32, #tpu.memory_space<vmem>>, vector<33x545xf32>
    %get3A_8 = arith.constant 0 : index
    %get3A_9 = arith.constant 0 : index
    %get3A_10 = vector.load %arg5[%get3A_8, %get3A_9] : memref<545x3xf32, #tpu.memory_space<vmem>>, vector<545x3xf32>
    %get3A_11 = arith.constant 0 : index
    %get3A_12 = arith.constant 0 : index
    %get3A_13 = vector.load %arg9[%get3A_11, %get3A_12] : memref<512x8xf32, #tpu.memory_space<vmem>>, vector<512x8xf32>
    %get3A_14 = arith.constant 0 : index
    %get3A_15 = arith.constant 0 : index
    %get3A_16 = vector.load %arg10[%get3A_14, %get3A_15] : memref<8x512xf32, #tpu.memory_space<vmem>>, vector<8x512xf32>
    %get3A_17 = arith.constant 0 : index
    %get3A_18 = arith.constant 0 : index
    %get3A_19 = vector.load %arg14[%get3A_17, %get3A_18] : memref<512x1xf32, #tpu.memory_space<vmem>>, vector<512x1xf32>
    %get3A_20 = arith.constant 0 : index
    %get3A_21 = arith.constant 0 : index
    %get3A_22 = vector.load %arg6[%get3A_20, %get3A_21] : memref<2x512xf32, #tpu.memory_space<vmem>>, vector<2x512xf32>
    %get3A_23 = arith.constant 0 : index
    %get3A_24 = arith.constant 0 : index
    %get3A_25 = vector.load %arg7[%get3A_23, %get3A_24] : memref<2x512xf32, #tpu.memory_space<vmem>>, vector<2x512xf32>
    %get3A_26 = arith.constant 0 : index
    %get3A_27 = arith.constant 0 : index
    %get3A_28 = vector.load %arg12[%get3A_26, %get3A_27] : memref<512x1024xf32, #tpu.memory_space<vmem>>, vector<512x1024xf32>
    %get3A_29 = arith.constant 0 : index
    %get3A_30 = arith.constant 0 : index
    %get3A_31 = vector.load %arg11[%get3A_29, %get3A_30] : memref<1x512xf32, #tpu.memory_space<vmem>>, vector<1x512xf32>
    %get3A_32 = arith.constant 0 : index
    %get3A_33 = arith.constant 0 : index
    %get3A_34 = vector.load %arg15[%get3A_32, %get3A_33] : memref<1x512xf32, #tpu.memory_space<vmem>>, vector<1x512xf32>
    %broadcast_in_dim3A = arith.constant 0.000000e+00 : f32
    %broadcast_in_dim3A_35 = vector.broadcast %broadcast_in_dim3A : f32 to vector<512x8xf32>
    %concatenate3A = tpu.concatenate %get3A_13, %broadcast_in_dim3A_35, %broadcast_in_dim3A_35, %broadcast_in_dim3A_35 in 1 : vector<512x8xf32>, vector<512x8xf32>, vector<512x8xf32>, vector<512x8xf32> -> vector<512x32xf32>
    %concatenate3A_36 = tpu.concatenate %broadcast_in_dim3A_35, %get3A_13, %broadcast_in_dim3A_35, %broadcast_in_dim3A_35 in 1 : vector<512x8xf32>, vector<512x8xf32>, vector<512x8xf32>, vector<512x8xf32> -> vector<512x32xf32>
    %concatenate3A_37 = tpu.concatenate %broadcast_in_dim3A_35, %broadcast_in_dim3A_35, %get3A_13, %broadcast_in_dim3A_35 in 1 : vector<512x8xf32>, vector<512x8xf32>, vector<512x8xf32>, vector<512x8xf32> -> vector<512x32xf32>
    %concatenate3A_38 = tpu.concatenate %broadcast_in_dim3A_35, %broadcast_in_dim3A_35, %broadcast_in_dim3A_35, %get3A_13 in 1 : vector<512x8xf32>, vector<512x8xf32>, vector<512x8xf32>, vector<512x8xf32> -> vector<512x32xf32>
    %concatenate3A_39 = tpu.concatenate %concatenate3A, %concatenate3A_36, %concatenate3A_37, %concatenate3A_38 in 0 : vector<512x32xf32>, vector<512x32xf32>, vector<512x32xf32>, vector<512x32xf32> -> vector<2048x32xf32>
    %broadcast_in_dim3A_40 = arith.constant 0.000000e+00 : f32
    %broadcast_in_dim3A_41 = vector.broadcast %broadcast_in_dim3A_40 : f32 to vector<8x512xf32>
    %concatenate3A_42 = tpu.concatenate %get3A_16, %broadcast_in_dim3A_41, %broadcast_in_dim3A_41, %broadcast_in_dim3A_41 in 1 : vector<8x512xf32>, vector<8x512xf32>, vector<8x512xf32>, vector<8x512xf32> -> vector<8x2048xf32>
    %concatenate3A_43 = tpu.concatenate %broadcast_in_dim3A_41, %get3A_16, %broadcast_in_dim3A_41, %broadcast_in_dim3A_41 in 1 : vector<8x512xf32>, vector<8x512xf32>, vector<8x512xf32>, vector<8x512xf32> -> vector<8x2048xf32>
    %concatenate3A_44 = tpu.concatenate %broadcast_in_dim3A_41, %broadcast_in_dim3A_41, %get3A_16, %broadcast_in_dim3A_41 in 1 : vector<8x512xf32>, vector<8x512xf32>, vector<8x512xf32>, vector<8x512xf32> -> vector<8x2048xf32>
    %concatenate3A_45 = tpu.concatenate %broadcast_in_dim3A_41, %broadcast_in_dim3A_41, %broadcast_in_dim3A_41, %get3A_16 in 1 : vector<8x512xf32>, vector<8x512xf32>, vector<8x512xf32>, vector<8x512xf32> -> vector<8x2048xf32>
    %concatenate3A_46 = tpu.concatenate %concatenate3A_42, %concatenate3A_43, %concatenate3A_44, %concatenate3A_45 in 0 : vector<8x2048xf32>, vector<8x2048xf32>, vector<8x2048xf32>, vector<8x2048xf32> -> vector<32x2048xf32>
    %broadcast_in_dim3A_47 = arith.constant 0.000000e+00 : f32
    %broadcast_in_dim3A_48 = vector.broadcast %broadcast_in_dim3A_47 : f32 to vector<512x1xf32>
    %concatenate3A_49 = tpu.concatenate %get3A_19, %broadcast_in_dim3A_48, %broadcast_in_dim3A_48, %broadcast_in_dim3A_48 in 1 : vector<512x1xf32>, vector<512x1xf32>, vector<512x1xf32>, vector<512x1xf32> -> vector<512x4xf32>
    %concatenate3A_50 = tpu.concatenate %broadcast_in_dim3A_48, %get3A_19, %broadcast_in_dim3A_48, %broadcast_in_dim3A_48 in 1 : vector<512x1xf32>, vector<512x1xf32>, vector<512x1xf32>, vector<512x1xf32> -> vector<512x4xf32>
    %concatenate3A_51 = tpu.concatenate %broadcast_in_dim3A_48, %broadcast_in_dim3A_48, %get3A_19, %broadcast_in_dim3A_48 in 1 : vector<512x1xf32>, vector<512x1xf32>, vector<512x1xf32>, vector<512x1xf32> -> vector<512x4xf32>
    %concatenate3A_52 = tpu.concatenate %broadcast_in_dim3A_48, %broadcast_in_dim3A_48, %broadcast_in_dim3A_48, %get3A_19 in 1 : vector<512x1xf32>, vector<512x1xf32>, vector<512x1xf32>, vector<512x1xf32> -> vector<512x4xf32>
    %concatenate3A_53 = tpu.concatenate %concatenate3A_49, %concatenate3A_50, %concatenate3A_51, %concatenate3A_52 in 0 : vector<512x4xf32>, vector<512x4xf32>, vector<512x4xf32>, vector<512x4xf32> -> vector<2048x4xf32>
    %concatenate3A_54 = tpu.concatenate %get3A_31, %get3A_31, %get3A_31, %get3A_31 in 1 : vector<1x512xf32>, vector<1x512xf32>, vector<1x512xf32>, vector<1x512xf32> -> vector<1x2048xf32>
    %concatenate3A_55 = tpu.concatenate %get3A_34, %get3A_34, %get3A_34, %get3A_34 in 1 : vector<1x512xf32>, vector<1x512xf32>, vector<1x512xf32>, vector<1x512xf32> -> vector<1x2048xf32>
    %slice3A = vector.extract_strided_slice %get3A_10 {offsets = [0, 0], sizes = [545, 1], strides = [1, 1]} : vector<545x3xf32> to vector<545x1xf32>
    %get3A_56 = arith.constant 0 : index
    %get3A_57 = arith.constant 0 : index
    %get3A_58 = vector.load %arg8[%get3A_56, %get3A_57] : memref<3x512xf32, #tpu.memory_space<vmem>>, vector<1x512xf32>
    %mul3A = vector.broadcast %slice3A : vector<545x1xf32> to vector<545x512xf32>
    %mul3A_59 = vector.broadcast %get3A_58 : vector<1x512xf32> to vector<545x512xf32>
    %mul3A_60 = arith.mulf %mul3A, %mul3A_59 : vector<545x512xf32>
    %slice3A_61 = vector.extract_strided_slice %get3A_10 {offsets = [0, 1], sizes = [545, 1], strides = [1, 1]} : vector<545x3xf32> to vector<545x1xf32>
    %get3A_62 = arith.constant 1 : index
    %get3A_63 = arith.constant 0 : index
    %get3A_64 = vector.load %arg8[%get3A_62, %get3A_63] : memref<3x512xf32, #tpu.memory_space<vmem>>, vector<1x512xf32>
    %mul3A_65 = vector.broadcast %slice3A_61 : vector<545x1xf32> to vector<545x512xf32>
    %mul3A_66 = vector.broadcast %get3A_64 : vector<1x512xf32> to vector<545x512xf32>
    %mul3A_67 = arith.mulf %mul3A_65, %mul3A_66 : vector<545x512xf32>
    %add3A = arith.addf %mul3A_60, %mul3A_67 : vector<545x512xf32>
    %slice3A_68 = vector.extract_strided_slice %get3A_10 {offsets = [0, 2], sizes = [545, 1], strides = [1, 1]} : vector<545x3xf32> to vector<545x1xf32>
    %get3A_69 = arith.constant 2 : index
    %get3A_70 = arith.constant 0 : index
    %get3A_71 = vector.load %arg8[%get3A_69, %get3A_70] : memref<3x512xf32, #tpu.memory_space<vmem>>, vector<1x512xf32>
    %mul3A_72 = vector.broadcast %slice3A_68 : vector<545x1xf32> to vector<545x512xf32>
    %mul3A_73 = vector.broadcast %get3A_71 : vector<1x512xf32> to vector<545x512xf32>
    %mul3A_74 = arith.mulf %mul3A_72, %mul3A_73 : vector<545x512xf32>
    %add3A_75 = arith.addf %add3A, %mul3A_74 : vector<545x512xf32>
    %slice3A_76 = vector.extract_strided_slice %get3A_10 {offsets = [0, 0], sizes = [545, 1], strides = [1, 1]} : vector<545x3xf32> to vector<545x1xf32>
    %get3A_77 = arith.constant 0 : index
    %get3A_78 = arith.constant 0 : index
    %get3A_79 = vector.load %arg13[%get3A_77, %get3A_78] : memref<3x512xf32, #tpu.memory_space<vmem>>, vector<1x512xf32>
    %mul3A_80 = vector.broadcast %slice3A_76 : vector<545x1xf32> to vector<545x512xf32>
    %mul3A_81 = vector.broadcast %get3A_79 : vector<1x512xf32> to vector<545x512xf32>
    %mul3A_82 = arith.mulf %mul3A_80, %mul3A_81 : vector<545x512xf32>
    %slice3A_83 = vector.extract_strided_slice %get3A_10 {offsets = [0, 1], sizes = [545, 1], strides = [1, 1]} : vector<545x3xf32> to vector<545x1xf32>
    %get3A_84 = arith.constant 1 : index
    %get3A_85 = arith.constant 0 : index
    %get3A_86 = vector.load %arg13[%get3A_84, %get3A_85] : memref<3x512xf32, #tpu.memory_space<vmem>>, vector<1x512xf32>
    %mul3A_87 = vector.broadcast %slice3A_83 : vector<545x1xf32> to vector<545x512xf32>
    %mul3A_88 = vector.broadcast %get3A_86 : vector<1x512xf32> to vector<545x512xf32>
    %mul3A_89 = arith.mulf %mul3A_87, %mul3A_88 : vector<545x512xf32>
    %add3A_90 = arith.addf %mul3A_82, %mul3A_89 : vector<545x512xf32>
    %slice3A_91 = vector.extract_strided_slice %get3A_10 {offsets = [0, 2], sizes = [545, 1], strides = [1, 1]} : vector<545x3xf32> to vector<545x1xf32>
    %get3A_92 = arith.constant 2 : index
    %get3A_93 = arith.constant 0 : index
    %get3A_94 = vector.load %arg13[%get3A_92, %get3A_93] : memref<3x512xf32, #tpu.memory_space<vmem>>, vector<1x512xf32>
    %mul3A_95 = vector.broadcast %slice3A_91 : vector<545x1xf32> to vector<545x512xf32>
    %mul3A_96 = vector.broadcast %get3A_94 : vector<1x512xf32> to vector<545x512xf32>
    %mul3A_97 = arith.mulf %mul3A_95, %mul3A_96 : vector<545x512xf32>
    %add3A_98 = arith.addf %add3A_90, %mul3A_97 : vector<545x512xf32>
    %concatenate3A_99 = tpu.concatenate %add3A_75, %add3A_75, %add3A_75, %add3A_75 in 1 : vector<545x512xf32>, vector<545x512xf32>, vector<545x512xf32>, vector<545x512xf32> -> vector<545x2048xf32>
    %concatenate3A_100 = tpu.concatenate %add3A_98, %add3A_98, %add3A_98, %add3A_98 in 1 : vector<545x512xf32>, vector<545x512xf32>, vector<545x512xf32>, vector<545x512xf32> -> vector<545x2048xf32>
    %scan3A = arith.constant 0 : i32
    %scan3A_101 = arith.constant 8 : i32
    %scan3A_102 = arith.addi %scan3A, %scan3A_101 : i32
    %scan3A_103 = arith.constant 1 : i32
    scf.for %scan3A_105 = %scan3A to %scan3A_102 step %scan3A_103  : i32 {
      %mul3A_106 = arith.constant 4 : i32
      %mul3A_107 = arith.muli %mul3A_106, %scan3A_105 : i32
      %add3A_108 = arith.constant 0 : i32
      %add3A_109 = arith.addi %mul3A_107, %add3A_108 : i32
      %get3A_110 = arith.index_cast %add3A_109 : i32 to index
      %get3A_111 = arith.constant 0 : index
      %get3A_112 = arith.constant 0 : index
      %get3A_113 = vector.load %arg1[%get3A_110, %get3A_111, %get3A_112] : memref<32x33x2xf32, #tpu.memory_space<vmem>>, vector<1x33x2xf32>
      %get3A_114 = vector.shape_cast %get3A_113 : vector<1x33x2xf32> to vector<33x2xf32>
      %add3A_115 = arith.constant 1 : i32
      %add3A_116 = arith.addi %mul3A_107, %add3A_115 : i32
      %get3A_117 = arith.index_cast %add3A_116 : i32 to index
      %get3A_118 = arith.constant 0 : index
      %get3A_119 = arith.constant 0 : index
      %get3A_120 = vector.load %arg1[%get3A_117, %get3A_118, %get3A_119] : memref<32x33x2xf32, #tpu.memory_space<vmem>>, vector<1x33x2xf32>
      %get3A_121 = vector.shape_cast %get3A_120 : vector<1x33x2xf32> to vector<33x2xf32>
      %add3A_122 = arith.constant 2 : i32
      %add3A_123 = arith.addi %mul3A_107, %add3A_122 : i32
      %get3A_124 = arith.index_cast %add3A_123 : i32 to index
      %get3A_125 = arith.constant 0 : index
      %get3A_126 = arith.constant 0 : index
      %get3A_127 = vector.load %arg1[%get3A_124, %get3A_125, %get3A_126] : memref<32x33x2xf32, #tpu.memory_space<vmem>>, vector<1x33x2xf32>
      %get3A_128 = vector.shape_cast %get3A_127 : vector<1x33x2xf32> to vector<33x2xf32>
      %add3A_129 = arith.constant 3 : i32
      %add3A_130 = arith.addi %mul3A_107, %add3A_129 : i32
      %get3A_131 = arith.index_cast %add3A_130 : i32 to index
      %get3A_132 = arith.constant 0 : index
      %get3A_133 = arith.constant 0 : index
      %get3A_134 = vector.load %arg1[%get3A_131, %get3A_132, %get3A_133] : memref<32x33x2xf32, #tpu.memory_space<vmem>>, vector<1x33x2xf32>
      %get3A_135 = vector.shape_cast %get3A_134 : vector<1x33x2xf32> to vector<33x2xf32>
      %concatenate3A_136 = tpu.concatenate %get3A_114, %get3A_121, %get3A_128, %get3A_135 in 1 : vector<33x2xf32>, vector<33x2xf32>, vector<33x2xf32>, vector<33x2xf32> -> vector<33x8xf32>
      %dot_general3A = arith.constant dense<0.000000e+00> : vector<545x8xf32>
      %dot_general3A_137 = tpu.matmul %get3A_1, %concatenate3A_136, %dot_general3A {dimension_numbers = #tpu.dot_dimension_numbers<[1], [0], [0], [1], [0, 0, 1, 1], [], []>, transpose_lhs_hint = false} : vector<545x33xf32>, vector<33x8xf32>, vector<545x8xf32> -> vector<545x8xf32>
      %dot_general3A_138 = arith.constant dense<0.000000e+00> : vector<545x8xf32>
      %dot_general3A_139 = tpu.matmul %get3A_4, %concatenate3A_136, %dot_general3A_138 {dimension_numbers = #tpu.dot_dimension_numbers<[1], [0], [0], [1], [0, 0, 1, 1], [], []>, transpose_lhs_hint = false} : vector<545x33xf32>, vector<33x8xf32>, vector<545x8xf32> -> vector<545x8xf32>
      %slice3A_140 = vector.extract_strided_slice %dot_general3A_137 {offsets = [0, 0], sizes = [545, 1], strides = [1, 1]} : vector<545x8xf32> to vector<545x1xf32>
      %slice3A_141 = vector.extract_strided_slice %get3A_22 {offsets = [0, 0], sizes = [1, 512], strides = [1, 1]} : vector<2x512xf32> to vector<1x512xf32>
      %mul3A_142 = vector.broadcast %slice3A_140 : vector<545x1xf32> to vector<545x512xf32>
      %mul3A_143 = vector.broadcast %slice3A_141 : vector<1x512xf32> to vector<545x512xf32>
      %mul3A_144 = arith.mulf %mul3A_142, %mul3A_143 : vector<545x512xf32>
      %slice3A_145 = vector.extract_strided_slice %dot_general3A_137 {offsets = [0, 1], sizes = [545, 1], strides = [1, 1]} : vector<545x8xf32> to vector<545x1xf32>
      %slice3A_146 = vector.extract_strided_slice %get3A_22 {offsets = [1, 0], sizes = [1, 512], strides = [1, 1]} : vector<2x512xf32> to vector<1x512xf32>
      %mul3A_147 = vector.broadcast %slice3A_145 : vector<545x1xf32> to vector<545x512xf32>
      %mul3A_148 = vector.broadcast %slice3A_146 : vector<1x512xf32> to vector<545x512xf32>
      %mul3A_149 = arith.mulf %mul3A_147, %mul3A_148 : vector<545x512xf32>
      %add3A_150 = arith.addf %mul3A_144, %mul3A_149 : vector<545x512xf32>
      %slice3A_151 = vector.extract_strided_slice %dot_general3A_137 {offsets = [0, 2], sizes = [545, 1], strides = [1, 1]} : vector<545x8xf32> to vector<545x1xf32>
      %slice3A_152 = vector.extract_strided_slice %get3A_22 {offsets = [0, 0], sizes = [1, 512], strides = [1, 1]} : vector<2x512xf32> to vector<1x512xf32>
      %mul3A_153 = vector.broadcast %slice3A_151 : vector<545x1xf32> to vector<545x512xf32>
      %mul3A_154 = vector.broadcast %slice3A_152 : vector<1x512xf32> to vector<545x512xf32>
      %mul3A_155 = arith.mulf %mul3A_153, %mul3A_154 : vector<545x512xf32>
      %slice3A_156 = vector.extract_strided_slice %dot_general3A_137 {offsets = [0, 3], sizes = [545, 1], strides = [1, 1]} : vector<545x8xf32> to vector<545x1xf32>
      %slice3A_157 = vector.extract_strided_slice %get3A_22 {offsets = [1, 0], sizes = [1, 512], strides = [1, 1]} : vector<2x512xf32> to vector<1x512xf32>
      %mul3A_158 = vector.broadcast %slice3A_156 : vector<545x1xf32> to vector<545x512xf32>
      %mul3A_159 = vector.broadcast %slice3A_157 : vector<1x512xf32> to vector<545x512xf32>
      %mul3A_160 = arith.mulf %mul3A_158, %mul3A_159 : vector<545x512xf32>
      %add3A_161 = arith.addf %mul3A_155, %mul3A_160 : vector<545x512xf32>
      %slice3A_162 = vector.extract_strided_slice %dot_general3A_137 {offsets = [0, 4], sizes = [545, 1], strides = [1, 1]} : vector<545x8xf32> to vector<545x1xf32>
      %slice3A_163 = vector.extract_strided_slice %get3A_22 {offsets = [0, 0], sizes = [1, 512], strides = [1, 1]} : vector<2x512xf32> to vector<1x512xf32>
      %mul3A_164 = vector.broadcast %slice3A_162 : vector<545x1xf32> to vector<545x512xf32>
      %mul3A_165 = vector.broadcast %slice3A_163 : vector<1x512xf32> to vector<545x512xf32>
      %mul3A_166 = arith.mulf %mul3A_164, %mul3A_165 : vector<545x512xf32>
      %slice3A_167 = vector.extract_strided_slice %dot_general3A_137 {offsets = [0, 5], sizes = [545, 1], strides = [1, 1]} : vector<545x8xf32> to vector<545x1xf32>
      %slice3A_168 = vector.extract_strided_slice %get3A_22 {offsets = [1, 0], sizes = [1, 512], strides = [1, 1]} : vector<2x512xf32> to vector<1x512xf32>
      %mul3A_169 = vector.broadcast %slice3A_167 : vector<545x1xf32> to vector<545x512xf32>
      %mul3A_170 = vector.broadcast %slice3A_168 : vector<1x512xf32> to vector<545x512xf32>
      %mul3A_171 = arith.mulf %mul3A_169, %mul3A_170 : vector<545x512xf32>
      %add3A_172 = arith.addf %mul3A_166, %mul3A_171 : vector<545x512xf32>
      %slice3A_173 = vector.extract_strided_slice %dot_general3A_137 {offsets = [0, 6], sizes = [545, 1], strides = [1, 1]} : vector<545x8xf32> to vector<545x1xf32>
      %slice3A_174 = vector.extract_strided_slice %get3A_22 {offsets = [0, 0], sizes = [1, 512], strides = [1, 1]} : vector<2x512xf32> to vector<1x512xf32>
      %mul3A_175 = vector.broadcast %slice3A_173 : vector<545x1xf32> to vector<545x512xf32>
      %mul3A_176 = vector.broadcast %slice3A_174 : vector<1x512xf32> to vector<545x512xf32>
      %mul3A_177 = arith.mulf %mul3A_175, %mul3A_176 : vector<545x512xf32>
      %slice3A_178 = vector.extract_strided_slice %dot_general3A_137 {offsets = [0, 7], sizes = [545, 1], strides = [1, 1]} : vector<545x8xf32> to vector<545x1xf32>
      %slice3A_179 = vector.extract_strided_slice %get3A_22 {offsets = [1, 0], sizes = [1, 512], strides = [1, 1]} : vector<2x512xf32> to vector<1x512xf32>
      %mul3A_180 = vector.broadcast %slice3A_178 : vector<545x1xf32> to vector<545x512xf32>
      %mul3A_181 = vector.broadcast %slice3A_179 : vector<1x512xf32> to vector<545x512xf32>
      %mul3A_182 = arith.mulf %mul3A_180, %mul3A_181 : vector<545x512xf32>
      %add3A_183 = arith.addf %mul3A_177, %mul3A_182 : vector<545x512xf32>
      %concatenate3A_184 = tpu.concatenate %add3A_150, %add3A_161, %add3A_172, %add3A_183 in 1 : vector<545x512xf32>, vector<545x512xf32>, vector<545x512xf32>, vector<545x512xf32> -> vector<545x2048xf32>
      %slice3A_185 = vector.extract_strided_slice %dot_general3A_139 {offsets = [0, 0], sizes = [545, 1], strides = [1, 1]} : vector<545x8xf32> to vector<545x1xf32>
      %slice3A_186 = vector.extract_strided_slice %get3A_25 {offsets = [0, 0], sizes = [1, 512], strides = [1, 1]} : vector<2x512xf32> to vector<1x512xf32>
      %mul3A_187 = vector.broadcast %slice3A_185 : vector<545x1xf32> to vector<545x512xf32>
      %mul3A_188 = vector.broadcast %slice3A_186 : vector<1x512xf32> to vector<545x512xf32>
      %mul3A_189 = arith.mulf %mul3A_187, %mul3A_188 : vector<545x512xf32>
      %slice3A_190 = vector.extract_strided_slice %dot_general3A_139 {offsets = [0, 1], sizes = [545, 1], strides = [1, 1]} : vector<545x8xf32> to vector<545x1xf32>
      %slice3A_191 = vector.extract_strided_slice %get3A_25 {offsets = [1, 0], sizes = [1, 512], strides = [1, 1]} : vector<2x512xf32> to vector<1x512xf32>
      %mul3A_192 = vector.broadcast %slice3A_190 : vector<545x1xf32> to vector<545x512xf32>
      %mul3A_193 = vector.broadcast %slice3A_191 : vector<1x512xf32> to vector<545x512xf32>
      %mul3A_194 = arith.mulf %mul3A_192, %mul3A_193 : vector<545x512xf32>
      %add3A_195 = arith.addf %mul3A_189, %mul3A_194 : vector<545x512xf32>
      %slice3A_196 = vector.extract_strided_slice %dot_general3A_139 {offsets = [0, 2], sizes = [545, 1], strides = [1, 1]} : vector<545x8xf32> to vector<545x1xf32>
      %slice3A_197 = vector.extract_strided_slice %get3A_25 {offsets = [0, 0], sizes = [1, 512], strides = [1, 1]} : vector<2x512xf32> to vector<1x512xf32>
      %mul3A_198 = vector.broadcast %slice3A_196 : vector<545x1xf32> to vector<545x512xf32>
      %mul3A_199 = vector.broadcast %slice3A_197 : vector<1x512xf32> to vector<545x512xf32>
      %mul3A_200 = arith.mulf %mul3A_198, %mul3A_199 : vector<545x512xf32>
      %slice3A_201 = vector.extract_strided_slice %dot_general3A_139 {offsets = [0, 3], sizes = [545, 1], strides = [1, 1]} : vector<545x8xf32> to vector<545x1xf32>
      %slice3A_202 = vector.extract_strided_slice %get3A_25 {offsets = [1, 0], sizes = [1, 512], strides = [1, 1]} : vector<2x512xf32> to vector<1x512xf32>
      %mul3A_203 = vector.broadcast %slice3A_201 : vector<545x1xf32> to vector<545x512xf32>
      %mul3A_204 = vector.broadcast %slice3A_202 : vector<1x512xf32> to vector<545x512xf32>
      %mul3A_205 = arith.mulf %mul3A_203, %mul3A_204 : vector<545x512xf32>
      %add3A_206 = arith.addf %mul3A_200, %mul3A_205 : vector<545x512xf32>
      %slice3A_207 = vector.extract_strided_slice %dot_general3A_139 {offsets = [0, 4], sizes = [545, 1], strides = [1, 1]} : vector<545x8xf32> to vector<545x1xf32>
      %slice3A_208 = vector.extract_strided_slice %get3A_25 {offsets = [0, 0], sizes = [1, 512], strides = [1, 1]} : vector<2x512xf32> to vector<1x512xf32>
      %mul3A_209 = vector.broadcast %slice3A_207 : vector<545x1xf32> to vector<545x512xf32>
      %mul3A_210 = vector.broadcast %slice3A_208 : vector<1x512xf32> to vector<545x512xf32>
      %mul3A_211 = arith.mulf %mul3A_209, %mul3A_210 : vector<545x512xf32>
      %slice3A_212 = vector.extract_strided_slice %dot_general3A_139 {offsets = [0, 5], sizes = [545, 1], strides = [1, 1]} : vector<545x8xf32> to vector<545x1xf32>
      %slice3A_213 = vector.extract_strided_slice %get3A_25 {offsets = [1, 0], sizes = [1, 512], strides = [1, 1]} : vector<2x512xf32> to vector<1x512xf32>
      %mul3A_214 = vector.broadcast %slice3A_212 : vector<545x1xf32> to vector<545x512xf32>
      %mul3A_215 = vector.broadcast %slice3A_213 : vector<1x512xf32> to vector<545x512xf32>
      %mul3A_216 = arith.mulf %mul3A_214, %mul3A_215 : vector<545x512xf32>
      %add3A_217 = arith.addf %mul3A_211, %mul3A_216 : vector<545x512xf32>
      %slice3A_218 = vector.extract_strided_slice %dot_general3A_139 {offsets = [0, 6], sizes = [545, 1], strides = [1, 1]} : vector<545x8xf32> to vector<545x1xf32>
      %slice3A_219 = vector.extract_strided_slice %get3A_25 {offsets = [0, 0], sizes = [1, 512], strides = [1, 1]} : vector<2x512xf32> to vector<1x512xf32>
      %mul3A_220 = vector.broadcast %slice3A_218 : vector<545x1xf32> to vector<545x512xf32>
      %mul3A_221 = vector.broadcast %slice3A_219 : vector<1x512xf32> to vector<545x512xf32>
      %mul3A_222 = arith.mulf %mul3A_220, %mul3A_221 : vector<545x512xf32>
      %slice3A_223 = vector.extract_strided_slice %dot_general3A_139 {offsets = [0, 7], sizes = [545, 1], strides = [1, 1]} : vector<545x8xf32> to vector<545x1xf32>
      %slice3A_224 = vector.extract_strided_slice %get3A_25 {offsets = [1, 0], sizes = [1, 512], strides = [1, 1]} : vector<2x512xf32> to vector<1x512xf32>
      %mul3A_225 = vector.broadcast %slice3A_223 : vector<545x1xf32> to vector<545x512xf32>
      %mul3A_226 = vector.broadcast %slice3A_224 : vector<1x512xf32> to vector<545x512xf32>
      %mul3A_227 = arith.mulf %mul3A_225, %mul3A_226 : vector<545x512xf32>
      %add3A_228 = arith.addf %mul3A_222, %mul3A_227 : vector<545x512xf32>
      %concatenate3A_229 = tpu.concatenate %add3A_195, %add3A_206, %add3A_217, %add3A_228 in 1 : vector<545x512xf32>, vector<545x512xf32>, vector<545x512xf32>, vector<545x512xf32> -> vector<545x2048xf32>
      %add3A_230 = arith.addf %concatenate3A_184, %concatenate3A_229 : vector<545x2048xf32>
      %add3A_231 = arith.addf %add3A_230, %concatenate3A_99 : vector<545x2048xf32>
      %mul3A_232 = arith.constant 2.000000e-01 : f32
      %mul3A_233 = vector.broadcast %mul3A_232 : f32 to vector<545x2048xf32>
      %mul3A_234 = arith.mulf %mul3A_233, %add3A_231 : vector<545x2048xf32>
      %max3A = arith.maximumf %add3A_231, %mul3A_234 : vector<545x2048xf32>
      %dot_general3A_235 = arith.constant dense<0.000000e+00> : vector<545x32xf32>
      %dot_general3A_236 = tpu.matmul %max3A, %concatenate3A_39, %dot_general3A_235 {dimension_numbers = #tpu.dot_dimension_numbers<[1], [0], [0], [1], [0, 0, 1, 1], [], []>, transpose_lhs_hint = false} : vector<545x2048xf32>, vector<2048x32xf32>, vector<545x32xf32> -> vector<545x32xf32>
      %reduce_max3A = arith.constant dense<0xFF800000> : vector<32xf32>
      %reduce_max3A_237 = vector.multi_reduction <maximumf>, %dot_general3A_236, %reduce_max3A [0] : vector<545x32xf32> to vector<32xf32>
      %broadcast_in_dim3A_238 = vector.shape_cast %reduce_max3A_237 : vector<32xf32> to vector<1x32xf32>
      %sub3A = vector.broadcast %broadcast_in_dim3A_238 : vector<1x32xf32> to vector<545x32xf32>
      %sub3A_239 = arith.subf %dot_general3A_236, %sub3A : vector<545x32xf32>
      %exp3A = math.exp %sub3A_239 : vector<545x32xf32>
      %dot_general3A_240 = arith.constant dense<0.000000e+00> : vector<33x32xf32>
      %dot_general3A_241 = tpu.matmul %get3A_7, %exp3A, %dot_general3A_240 {dimension_numbers = #tpu.dot_dimension_numbers<[1], [0], [0], [1], [0, 0, 1, 1], [], []>, transpose_lhs_hint = false} : vector<33x545xf32>, vector<545x32xf32>, vector<33x32xf32> -> vector<33x32xf32>
      %dot_general3A_242 = arith.constant dense<0.000000e+00> : vector<545x32xf32>
      %dot_general3A_243 = tpu.matmul %get3A_4, %dot_general3A_241, %dot_general3A_242 {dimension_numbers = #tpu.dot_dimension_numbers<[1], [0], [0], [1], [0, 0, 1, 1], [], []>, transpose_lhs_hint = false} : vector<545x33xf32>, vector<33x32xf32>, vector<545x32xf32> -> vector<545x32xf32>
      %add3A_244 = arith.constant 1.000000e-16 : f32
      %add3A_245 = vector.broadcast %add3A_244 : f32 to vector<545x32xf32>
      %add3A_246 = arith.addf %dot_general3A_243, %add3A_245 : vector<545x32xf32>
      %div3A = arith.divf %exp3A, %add3A_246 : vector<545x32xf32>
      %dot_general3A_247 = arith.constant dense<0.000000e+00> : vector<545x2048xf32>
      %dot_general3A_248 = tpu.matmul %div3A, %concatenate3A_46, %dot_general3A_247 {dimension_numbers = #tpu.dot_dimension_numbers<[1], [0], [0], [1], [0, 0, 1, 1], [], []>, transpose_lhs_hint = false} : vector<545x32xf32>, vector<32x2048xf32>, vector<545x2048xf32> -> vector<545x2048xf32>
      %mul3A_249 = arith.mulf %concatenate3A_184, %dot_general3A_248 : vector<545x2048xf32>
      %dot_general3A_250 = arith.constant dense<0.000000e+00> : vector<33x2048xf32>
      %dot_general3A_251 = tpu.matmul %get3A_7, %mul3A_249, %dot_general3A_250 {dimension_numbers = #tpu.dot_dimension_numbers<[1], [0], [0], [1], [0, 0, 1, 1], [], []>, transpose_lhs_hint = false} : vector<33x545xf32>, vector<545x2048xf32>, vector<33x2048xf32> -> vector<33x2048xf32>
      %add3A_252 = vector.broadcast %concatenate3A_54 : vector<1x2048xf32> to vector<33x2048xf32>
      %add3A_253 = arith.addf %dot_general3A_251, %add3A_252 : vector<33x2048xf32>
      %gt3A = arith.constant 0.000000e+00 : f32
      %gt3A_254 = vector.broadcast %gt3A : f32 to vector<33x2048xf32>
      %gt3A_255 = arith.cmpf ogt, %add3A_253, %gt3A_254 : vector<33x2048xf32>
      %exp3A_256 = math.exp %add3A_253 : vector<33x2048xf32>
      %sub3A_257 = arith.constant 1.000000e+00 : f32
      %sub3A_258 = vector.broadcast %sub3A_257 : f32 to vector<33x2048xf32>
      %sub3A_259 = arith.subf %exp3A_256, %sub3A_258 : vector<33x2048xf32>
      %select_n3A = arith.select %gt3A_255, %add3A_253, %sub3A_259 : vector<33x2048xi1>, vector<33x2048xf32>
      %slice3A_260 = vector.extract_strided_slice %select_n3A {offsets = [0, 0], sizes = [33, 512], strides = [1, 1]} : vector<33x2048xf32> to vector<33x512xf32>
      %slice3A_261 = vector.extract_strided_slice %select_n3A {offsets = [0, 512], sizes = [33, 512], strides = [1, 1]} : vector<33x2048xf32> to vector<33x512xf32>
      %slice3A_262 = vector.extract_strided_slice %select_n3A {offsets = [0, 1024], sizes = [33, 512], strides = [1, 1]} : vector<33x2048xf32> to vector<33x512xf32>
      %slice3A_263 = vector.extract_strided_slice %select_n3A {offsets = [0, 1536], sizes = [33, 512], strides = [1, 1]} : vector<33x2048xf32> to vector<33x512xf32>
      %concatenate3A_264 = tpu.concatenate %slice3A_260, %slice3A_261, %slice3A_262, %slice3A_263 in 0 : vector<33x512xf32>, vector<33x512xf32>, vector<33x512xf32>, vector<33x512xf32> -> vector<132x512xf32>
      %dot_general3A_265 = arith.constant dense<0.000000e+00> : vector<132x1024xf32>
      %dot_general3A_266 = tpu.matmul %concatenate3A_264, %get3A_28, %dot_general3A_265 {dimension_numbers = #tpu.dot_dimension_numbers<[1], [0], [0], [1], [0, 0, 1, 1], [], []>, transpose_lhs_hint = false} : vector<132x512xf32>, vector<512x1024xf32>, vector<132x1024xf32> -> vector<132x1024xf32>
      %slice3A_267 = vector.extract_strided_slice %dot_general3A_266 {offsets = [0, 0], sizes = [33, 512], strides = [1, 1]} : vector<132x1024xf32> to vector<33x512xf32>
      %slice3A_268 = vector.extract_strided_slice %dot_general3A_266 {offsets = [33, 0], sizes = [33, 512], strides = [1, 1]} : vector<132x1024xf32> to vector<33x512xf32>
      %slice3A_269 = vector.extract_strided_slice %dot_general3A_266 {offsets = [66, 0], sizes = [33, 512], strides = [1, 1]} : vector<132x1024xf32> to vector<33x512xf32>
      %slice3A_270 = vector.extract_strided_slice %dot_general3A_266 {offsets = [99, 0], sizes = [33, 512], strides = [1, 1]} : vector<132x1024xf32> to vector<33x512xf32>
      %concatenate3A_271 = tpu.concatenate %slice3A_267, %slice3A_268, %slice3A_269, %slice3A_270 in 1 : vector<33x512xf32>, vector<33x512xf32>, vector<33x512xf32>, vector<33x512xf32> -> vector<33x2048xf32>
      %slice3A_272 = vector.extract_strided_slice %dot_general3A_266 {offsets = [0, 512], sizes = [33, 512], strides = [1, 1]} : vector<132x1024xf32> to vector<33x512xf32>
      %slice3A_273 = vector.extract_strided_slice %dot_general3A_266 {offsets = [33, 512], sizes = [33, 512], strides = [1, 1]} : vector<132x1024xf32> to vector<33x512xf32>
      %slice3A_274 = vector.extract_strided_slice %dot_general3A_266 {offsets = [66, 512], sizes = [33, 512], strides = [1, 1]} : vector<132x1024xf32> to vector<33x512xf32>
      %slice3A_275 = vector.extract_strided_slice %dot_general3A_266 {offsets = [99, 512], sizes = [33, 512], strides = [1, 1]} : vector<132x1024xf32> to vector<33x512xf32>
      %concatenate3A_276 = tpu.concatenate %slice3A_272, %slice3A_273, %slice3A_274, %slice3A_275 in 1 : vector<33x512xf32>, vector<33x512xf32>, vector<33x512xf32>, vector<33x512xf32> -> vector<33x2048xf32>
      %dot_general3A_277 = arith.constant dense<0.000000e+00> : vector<545x2048xf32>
      %dot_general3A_278 = tpu.matmul %get3A_1, %concatenate3A_271, %dot_general3A_277 {dimension_numbers = #tpu.dot_dimension_numbers<[1], [0], [0], [1], [0, 0, 1, 1], [], []>, transpose_lhs_hint = false} : vector<545x33xf32>, vector<33x2048xf32>, vector<545x2048xf32> -> vector<545x2048xf32>
      %dot_general3A_279 = arith.constant dense<0.000000e+00> : vector<545x2048xf32>
      %dot_general3A_280 = tpu.matmul %get3A_4, %concatenate3A_276, %dot_general3A_279 {dimension_numbers = #tpu.dot_dimension_numbers<[1], [0], [0], [1], [0, 0, 1, 1], [], []>, transpose_lhs_hint = false} : vector<545x33xf32>, vector<33x2048xf32>, vector<545x2048xf32> -> vector<545x2048xf32>
      %add3A_281 = arith.addf %dot_general3A_278, %dot_general3A_280 : vector<545x2048xf32>
      %add3A_282 = arith.addf %add3A_281, %concatenate3A_100 : vector<545x2048xf32>
      %mul3A_283 = arith.constant 2.000000e-01 : f32
      %mul3A_284 = vector.broadcast %mul3A_283 : f32 to vector<545x2048xf32>
      %mul3A_285 = arith.mulf %mul3A_284, %add3A_282 : vector<545x2048xf32>
      %max3A_286 = arith.maximumf %add3A_282, %mul3A_285 : vector<545x2048xf32>
      %dot_general3A_287 = arith.constant dense<0.000000e+00> : vector<545x4xf32>
      %dot_general3A_288 = tpu.matmul %max3A_286, %concatenate3A_53, %dot_general3A_287 {dimension_numbers = #tpu.dot_dimension_numbers<[1], [0], [0], [1], [0, 0, 1, 1], [], []>, transpose_lhs_hint = false} : vector<545x2048xf32>, vector<2048x4xf32>, vector<545x4xf32> -> vector<545x4xf32>
      %reduce_max3A_289 = arith.constant dense<0xFF800000> : vector<4xf32>
      %reduce_max3A_290 = vector.multi_reduction <maximumf>, %dot_general3A_288, %reduce_max3A_289 [0] : vector<545x4xf32> to vector<4xf32>
      %broadcast_in_dim3A_291 = vector.shape_cast %reduce_max3A_290 : vector<4xf32> to vector<1x4xf32>
      %sub3A_292 = vector.broadcast %broadcast_in_dim3A_291 : vector<1x4xf32> to vector<545x4xf32>
      %sub3A_293 = arith.subf %dot_general3A_288, %sub3A_292 : vector<545x4xf32>
      %exp3A_294 = math.exp %sub3A_293 : vector<545x4xf32>
      %dot_general3A_295 = arith.constant dense<0.000000e+00> : vector<33x4xf32>
      %dot_general3A_296 = tpu.matmul %get3A_7, %exp3A_294, %dot_general3A_295 {dimension_numbers = #tpu.dot_dimension_numbers<[1], [0], [0], [1], [0, 0, 1, 1], [], []>, transpose_lhs_hint = false} : vector<33x545xf32>, vector<545x4xf32>, vector<33x4xf32> -> vector<33x4xf32>
      %dot_general3A_297 = arith.constant dense<0.000000e+00> : vector<545x4xf32>
      %dot_general3A_298 = tpu.matmul %get3A_4, %dot_general3A_296, %dot_general3A_297 {dimension_numbers = #tpu.dot_dimension_numbers<[1], [0], [0], [1], [0, 0, 1, 1], [], []>, transpose_lhs_hint = false} : vector<545x33xf32>, vector<33x4xf32>, vector<545x4xf32> -> vector<545x4xf32>
      %add3A_299 = arith.constant 1.000000e-16 : f32
      %add3A_300 = vector.broadcast %add3A_299 : f32 to vector<545x4xf32>
      %add3A_301 = arith.addf %dot_general3A_298, %add3A_300 : vector<545x4xf32>
      %div3A_302 = arith.divf %exp3A_294, %add3A_301 : vector<545x4xf32>
      %slice3A_303 = vector.extract_strided_slice %dot_general3A_278 {offsets = [0, 0], sizes = [545, 512], strides = [1, 1]} : vector<545x2048xf32> to vector<545x512xf32>
      %slice3A_304 = vector.extract_strided_slice %div3A_302 {offsets = [0, 0], sizes = [545, 1], strides = [1, 1]} : vector<545x4xf32> to vector<545x1xf32>
      %mul3A_305 = vector.broadcast %slice3A_304 : vector<545x1xf32> to vector<545x512xf32>
      %mul3A_306 = arith.mulf %slice3A_303, %mul3A_305 : vector<545x512xf32>
      %slice3A_307 = vector.extract_strided_slice %dot_general3A_278 {offsets = [0, 512], sizes = [545, 512], strides = [1, 1]} : vector<545x2048xf32> to vector<545x512xf32>
      %slice3A_308 = vector.extract_strided_slice %div3A_302 {offsets = [0, 1], sizes = [545, 1], strides = [1, 1]} : vector<545x4xf32> to vector<545x1xf32>
      %mul3A_309 = vector.broadcast %slice3A_308 : vector<545x1xf32> to vector<545x512xf32>
      %mul3A_310 = arith.mulf %slice3A_307, %mul3A_309 : vector<545x512xf32>
      %slice3A_311 = vector.extract_strided_slice %dot_general3A_278 {offsets = [0, 1024], sizes = [545, 512], strides = [1, 1]} : vector<545x2048xf32> to vector<545x512xf32>
      %slice3A_312 = vector.extract_strided_slice %div3A_302 {offsets = [0, 2], sizes = [545, 1], strides = [1, 1]} : vector<545x4xf32> to vector<545x1xf32>
      %mul3A_313 = vector.broadcast %slice3A_312 : vector<545x1xf32> to vector<545x512xf32>
      %mul3A_314 = arith.mulf %slice3A_311, %mul3A_313 : vector<545x512xf32>
      %slice3A_315 = vector.extract_strided_slice %dot_general3A_278 {offsets = [0, 1536], sizes = [545, 512], strides = [1, 1]} : vector<545x2048xf32> to vector<545x512xf32>
      %slice3A_316 = vector.extract_strided_slice %div3A_302 {offsets = [0, 3], sizes = [545, 1], strides = [1, 1]} : vector<545x4xf32> to vector<545x1xf32>
      %mul3A_317 = vector.broadcast %slice3A_316 : vector<545x1xf32> to vector<545x512xf32>
      %mul3A_318 = arith.mulf %slice3A_315, %mul3A_317 : vector<545x512xf32>
      %concatenate3A_319 = tpu.concatenate %mul3A_306, %mul3A_310, %mul3A_314, %mul3A_318 in 1 : vector<545x512xf32>, vector<545x512xf32>, vector<545x512xf32>, vector<545x512xf32> -> vector<545x2048xf32>
      %dot_general3A_320 = arith.constant dense<0.000000e+00> : vector<33x2048xf32>
      %dot_general3A_321 = tpu.matmul %get3A_7, %concatenate3A_319, %dot_general3A_320 {dimension_numbers = #tpu.dot_dimension_numbers<[1], [0], [0], [1], [0, 0, 1, 1], [], []>, transpose_lhs_hint = false} : vector<33x545xf32>, vector<545x2048xf32>, vector<33x2048xf32> -> vector<33x2048xf32>
      %add3A_322 = vector.broadcast %concatenate3A_55 : vector<1x2048xf32> to vector<33x2048xf32>
      %add3A_323 = arith.addf %dot_general3A_321, %add3A_322 : vector<33x2048xf32>
      %gt3A_324 = arith.constant 0.000000e+00 : f32
      %gt3A_325 = vector.broadcast %gt3A_324 : f32 to vector<33x2048xf32>
      %gt3A_326 = arith.cmpf ogt, %add3A_323, %gt3A_325 : vector<33x2048xf32>
      %exp3A_327 = math.exp %add3A_323 : vector<33x2048xf32>
      %sub3A_328 = arith.constant 1.000000e+00 : f32
      %sub3A_329 = vector.broadcast %sub3A_328 : f32 to vector<33x2048xf32>
      %sub3A_330 = arith.subf %exp3A_327, %sub3A_329 : vector<33x2048xf32>
      %select_n3A_331 = arith.select %gt3A_326, %add3A_323, %sub3A_330 : vector<33x2048xi1>, vector<33x2048xf32>
      %slice3A_332 = vector.extract_strided_slice %select_n3A_331 {offsets = [0, 0], sizes = [33, 512], strides = [1, 1]} : vector<33x2048xf32> to vector<33x512xf32>
      %add3A_333 = arith.constant 0 : i32
      %add3A_334 = arith.addi %mul3A_107, %add3A_333 : i32
      %swap3A = arith.index_cast %add3A_334 : i32 to index
      %swap3A_335 = arith.constant 0 : index
      %swap3A_336 = arith.constant 0 : index
      %swap3A_337 = vector.load %arg16[%swap3A, %swap3A_335, %swap3A_336] : memref<32x33x512xf32, #tpu.memory_space<vmem>>, vector<1x33x512xf32>
      %swap3A_338 = vector.shape_cast %swap3A_337 : vector<1x33x512xf32> to vector<33x512xf32>
      %swap3A_339 = vector.shape_cast %slice3A_332 : vector<33x512xf32> to vector<1x33x512xf32>
      tpu.vector_store %arg16[%swap3A, %swap3A_335, %swap3A_336], %swap3A_339 {strides = array<i32>} : memref<32x33x512xf32, #tpu.memory_space<vmem>>, vector<1x33x512xf32>,
      %slice3A_340 = vector.extract_strided_slice %select_n3A_331 {offsets = [0, 512], sizes = [33, 512], strides = [1, 1]} : vector<33x2048xf32> to vector<33x512xf32>
      %add3A_341 = arith.constant 1 : i32
      %add3A_342 = arith.addi %mul3A_107, %add3A_341 : i32
      %swap3A_343 = arith.index_cast %add3A_342 : i32 to index
      %swap3A_344 = arith.constant 0 : index
      %swap3A_345 = arith.constant 0 : index
      %swap3A_346 = vector.load %arg16[%swap3A_343, %swap3A_344, %swap3A_345] : memref<32x33x512xf32, #tpu.memory_space<vmem>>, vector<1x33x512xf32>
      %swap3A_347 = vector.shape_cast %swap3A_346 : vector<1x33x512xf32> to vector<33x512xf32>
      %swap3A_348 = vector.shape_cast %slice3A_340 : vector<33x512xf32> to vector<1x33x512xf32>
      tpu.vector_store %arg16[%swap3A_343, %swap3A_344, %swap3A_345], %swap3A_348 {strides = array<i32>} : memref<32x33x512xf32, #tpu.memory_space<vmem>>, vector<1x33x512xf32>,
      %slice3A_349 = vector.extract_strided_slice %select_n3A_331 {offsets = [0, 1024], sizes = [33, 512], strides = [1, 1]} : vector<33x2048xf32> to vector<33x512xf32>
      %add3A_350 = arith.constant 2 : i32
      %add3A_351 = arith.addi %mul3A_107, %add3A_350 : i32
      %swap3A_352 = arith.index_cast %add3A_351 : i32 to index
      %swap3A_353 = arith.constant 0 : index
      %swap3A_354 = arith.constant 0 : index
      %swap3A_355 = vector.load %arg16[%swap3A_352, %swap3A_353, %swap3A_354] : memref<32x33x512xf32, #tpu.memory_space<vmem>>, vector<1x33x512xf32>
      %swap3A_356 = vector.shape_cast %swap3A_355 : vector<1x33x512xf32> to vector<33x512xf32>
      %swap3A_357 = vector.shape_cast %slice3A_349 : vector<33x512xf32> to vector<1x33x512xf32>
      tpu.vector_store %arg16[%swap3A_352, %swap3A_353, %swap3A_354], %swap3A_357 {strides = array<i32>} : memref<32x33x512xf32, #tpu.memory_space<vmem>>, vector<1x33x512xf32>,
      %slice3A_358 = vector.extract_strided_slice %select_n3A_331 {offsets = [0, 1536], sizes = [33, 512], strides = [1, 1]} : vector<33x2048xf32> to vector<33x512xf32>
      %add3A_359 = arith.constant 3 : i32
      %add3A_360 = arith.addi %mul3A_107, %add3A_359 : i32
      %swap3A_361 = arith.index_cast %add3A_360 : i32 to index
      %swap3A_362 = arith.constant 0 : index
      %swap3A_363 = arith.constant 0 : index
      %swap3A_364 = vector.load %arg16[%swap3A_361, %swap3A_362, %swap3A_363] : memref<32x33x512xf32, #tpu.memory_space<vmem>>, vector<1x33x512xf32>
      %swap3A_365 = vector.shape_cast %swap3A_364 : vector<1x33x512xf32> to vector<33x512xf32>
      %swap3A_366 = vector.shape_cast %slice3A_358 : vector<33x512xf32> to vector<1x33x512xf32>
      tpu.vector_store %arg16[%swap3A_361, %swap3A_362, %swap3A_363], %swap3A_366 {strides = array<i32>} : memref<32x33x512xf32, #tpu.memory_space<vmem>>, vector<1x33x512xf32>,
    }
    %scan3A_104 = arith.constant 8 : i32
    return
  }
  func.func @transform_0(%arg0: i32) -> (i32, i32, i32) {
    %c0_i32 = arith.constant 0 : i32
    %c0_i32_0 = arith.constant 0 : i32
    %c0_i32_1 = arith.constant 0 : i32
    return %arg0, %c0_i32, %c0_i32_0 : i32, i32, i32
  }
  func.func @transform_1(%arg0: i32) -> (i32, i32) {
    %c0_i32 = arith.constant 0 : i32
    %c0_i32_0 = arith.constant 0 : i32
    %c0_i32_1 = arith.constant 0 : i32
    return %c0_i32, %c0_i32_0 : i32, i32
  }
  func.func @transform_2(%arg0: i32) -> (i32, i32) {
    %c0_i32 = arith.constant 0 : i32
    %c0_i32_0 = arith.constant 0 : i32
    %c0_i32_1 = arith.constant 0 : i32
    return %c0_i32, %c0_i32_0 : i32, i32
  }
  func.func @transform_3(%arg0: i32) -> (i32, i32) {
    %c0_i32 = arith.constant 0 : i32
    %c0_i32_0 = arith.constant 0 : i32
    %c0_i32_1 = arith.constant 0 : i32
    return %c0_i32, %c0_i32_0 : i32, i32
  }
  func.func @transform_4(%arg0: i32) -> (i32, i32) {
    %c0_i32 = arith.constant 0 : i32
    %c0_i32_0 = arith.constant 0 : i32
    %c0_i32_1 = arith.constant 0 : i32
    return %c0_i32, %c0_i32_0 : i32, i32
  }
  func.func @transform_5(%arg0: i32) -> (i32, i32) {
    %c0_i32 = arith.constant 0 : i32
    %c0_i32_0 = arith.constant 0 : i32
    %c0_i32_1 = arith.constant 0 : i32
    return %c0_i32, %c0_i32_0 : i32, i32
  }
  func.func @transform_6(%arg0: i32) -> (i32, i32) {
    %c0_i32 = arith.constant 0 : i32
    %c0_i32_0 = arith.constant 0 : i32
    %c0_i32_1 = arith.constant 0 : i32
    return %c0_i32, %c0_i32_0 : i32, i32
  }
  func.func @transform_7(%arg0: i32) -> (i32, i32) {
    %c0_i32 = arith.constant 0 : i32
    %c0_i32_0 = arith.constant 0 : i32
    %c0_i32_1 = arith.constant 0 : i32
    return %c0_i32, %c0_i32_0 : i32, i32
  }
  func.func @transform_8(%arg0: i32) -> (i32, i32) {
    %c0_i32 = arith.constant 0 : i32
    %c0_i32_0 = arith.constant 0 : i32
    %c0_i32_1 = arith.constant 0 : i32
    return %c0_i32, %c0_i32_0 : i32, i32
  }
  func.func @transform_9(%arg0: i32) -> (i32, i32) {
    %c0_i32 = arith.constant 0 : i32
    %c0_i32_0 = arith.constant 0 : i32
    %c0_i32_1 = arith.constant 0 : i32
    return %c0_i32, %c0_i32_0 : i32, i32
  }
  func.func @transform_10(%arg0: i32) -> (i32, i32) {
    %c0_i32 = arith.constant 0 : i32
    %c0_i32_0 = arith.constant 0 : i32
    %c0_i32_1 = arith.constant 0 : i32
    return %c0_i32, %c0_i32_0 : i32, i32
  }
  func.func @transform_11(%arg0: i32) -> (i32, i32) {
    %c0_i32 = arith.constant 0 : i32
    %c0_i32_0 = arith.constant 0 : i32
    %c0_i32_1 = arith.constant 0 : i32
    return %c0_i32, %c0_i32_0 : i32, i32
  }
  func.func @transform_12(%arg0: i32) -> (i32, i32) {
    %c0_i32 = arith.constant 0 : i32
    %c0_i32_0 = arith.constant 0 : i32
    %c0_i32_1 = arith.constant 0 : i32
    return %c0_i32, %c0_i32_0 : i32, i32
  }
  func.func @transform_13(%arg0: i32) -> (i32, i32) {
    %c0_i32 = arith.constant 0 : i32
    %c0_i32_0 = arith.constant 0 : i32
    %c0_i32_1 = arith.constant 0 : i32
    return %c0_i32, %c0_i32_0 : i32, i32
  }
  func.func @transform_14(%arg0: i32) -> (i32, i32) {
    %c0_i32 = arith.constant 0 : i32
    %c0_i32_0 = arith.constant 0 : i32
    %c0_i32_1 = arith.constant 0 : i32
    return %c0_i32, %c0_i32_0 : i32, i32
  }
  func.func @transform_15(%arg0: i32) -> (i32, i32, i32) {
    %c0_i32 = arith.constant 0 : i32
    %c0_i32_0 = arith.constant 0 : i32
    %c0_i32_1 = arith.constant 0 : i32
    return %arg0, %c0_i32, %c0_i32_0 : i32, i32, i32
  }
}

module attributes {stable_mosaic.version = 14 : i64} {
  func.func @_proj_body(%arg0: i32, %arg1: memref<512x2816xf32, #tpu.memory_space<vmem>>, %arg2: memref<2816x512xf32, #tpu.memory_space<vmem>>, %arg3: memref<1x512xf32, #tpu.memory_space<vmem>>, %arg4: memref<512x512xf32, #tpu.memory_space<vmem>>) attributes {dimension_semantics = [#tpu.dimension_semantics<arbitrary>], iteration_bounds = array<i64: 6>, scalar_prefetch = 0 : i64, scratch_operands = 0 : i64, tpu.core_type = #tpu.core_type<tc>, window_params = [{transform_indices = @transform_0, window_bounds = array<i64: 512, 2816>}, {transform_indices = @transform_1, window_bounds = array<i64: 2816, 512>}, {pipeline_mode = #tpu.pipeline_mode<synchronous>, transform_indices = @transform_2, window_bounds = array<i64: 1, 512>}, {pipeline_mode = #tpu.pipeline_mode<synchronous>, transform_indices = @transform_3, window_bounds = array<i64: 512, 512>}]} {
    %get3A = arith.constant 0 : index
    %get3A_0 = arith.constant 0 : index
    %get3A_1 = vector.load %arg1[%get3A, %get3A_0] : memref<512x2816xf32, #tpu.memory_space<vmem>>, vector<512x2816xf32>
    %get3A_2 = arith.constant 0 : index
    %get3A_3 = arith.constant 0 : index
    %get3A_4 = vector.load %arg2[%get3A_2, %get3A_3] : memref<2816x512xf32, #tpu.memory_space<vmem>>, vector<2816x512xf32>
    %dot_general3A = arith.constant dense<0.000000e+00> : vector<512x512xf32>
    %dot_general3A_5 = tpu.matmul %get3A_1, %get3A_4, %dot_general3A {dimension_numbers = #tpu.dot_dimension_numbers<[1], [0], [0], [1], [0, 0, 1, 1], [], []>, transpose_lhs_hint = false} : vector<512x2816xf32>, vector<2816x512xf32>, vector<512x512xf32> -> vector<512x512xf32>
    %eq3A = arith.constant 0 : i32
    %eq3A_6 = arith.cmpi eq, %arg0, %eq3A : i32
    %convert_element_type3A = arith.extui %eq3A_6 : i1 to i32
    %cond3A = arith.constant 0 : i32
    %cond3A_7 = arith.cmpi ne, %convert_element_type3A, %cond3A : i32
    scf.if %cond3A_7 {
      %get3A_12 = arith.constant 0 : index
      %get3A_13 = arith.constant 0 : index
      %get3A_14 = vector.load %arg3[%get3A_12, %get3A_13] : memref<1x512xf32, #tpu.memory_space<vmem>>, vector<1x512xf32>
      %add3A = vector.broadcast %get3A_14 : vector<1x512xf32> to vector<512x512xf32>
      %add3A_15 = arith.addf %dot_general3A_5, %add3A : vector<512x512xf32>
      %swap3A = arith.constant 0 : index
      %swap3A_16 = arith.constant 0 : index
      %swap3A_17 = vector.load %arg4[%swap3A, %swap3A_16] : memref<512x512xf32, #tpu.memory_space<vmem>>, vector<512x512xf32>
      tpu.vector_store %arg4[%swap3A, %swap3A_16], %add3A_15 {strides = array<i32>} : memref<512x512xf32, #tpu.memory_space<vmem>>, vector<512x512xf32>,
    } else {
    }
    %gt3A = arith.constant 0 : i32
    %gt3A_8 = arith.cmpi sgt, %arg0, %gt3A : i32
    %convert_element_type3A_9 = arith.extui %gt3A_8 : i1 to i32
    %cond3A_10 = arith.constant 0 : i32
    %cond3A_11 = arith.cmpi ne, %convert_element_type3A_9, %cond3A_10 : i32
    scf.if %cond3A_11 {
      %get3A_12 = arith.constant 0 : index
      %get3A_13 = arith.constant 0 : index
      %get3A_14 = vector.load %arg4[%get3A_12, %get3A_13] : memref<512x512xf32, #tpu.memory_space<vmem>>, vector<512x512xf32>
      %add3A = arith.addf %get3A_14, %dot_general3A_5 : vector<512x512xf32>
      %swap3A = arith.constant 0 : index
      %swap3A_15 = arith.constant 0 : index
      %swap3A_16 = vector.load %arg4[%swap3A, %swap3A_15] : memref<512x512xf32, #tpu.memory_space<vmem>>, vector<512x512xf32>
      tpu.vector_store %arg4[%swap3A, %swap3A_15], %add3A {strides = array<i32>} : memref<512x512xf32, #tpu.memory_space<vmem>>, vector<512x512xf32>,
    } else {
    }
    return
  }
  func.func @transform_0(%arg0: i32) -> (i32, i32) {
    %c0_i32 = arith.constant 0 : i32
    %c0_i32_0 = arith.constant 0 : i32
    return %c0_i32, %arg0 : i32, i32
  }
  func.func @transform_1(%arg0: i32) -> (i32, i32) {
    %c0_i32 = arith.constant 0 : i32
    %c0_i32_0 = arith.constant 0 : i32
    return %arg0, %c0_i32 : i32, i32
  }
  func.func @transform_2(%arg0: i32) -> (i32, i32) {
    %c0_i32 = arith.constant 0 : i32
    %c0_i32_0 = arith.constant 0 : i32
    %c0_i32_1 = arith.constant 0 : i32
    return %c0_i32, %c0_i32_0 : i32, i32
  }
  func.func @transform_3(%arg0: i32) -> (i32, i32) {
    %c0_i32 = arith.constant 0 : i32
    %c0_i32_0 = arith.constant 0 : i32
    %c0_i32_1 = arith.constant 0 : i32
    return %c0_i32, %c0_i32_0 : i32, i32
  }
}

module attributes {stable_mosaic.version = 14 : i64} {
  func.func @_lstm_body(%arg0: memref<64x8x512xf32, #tpu.memory_space<vmem>>, %arg1: memref<128x512xf32, #tpu.memory_space<vmem>>, %arg2: memref<128x256xf32, #tpu.memory_space<vmem>>, %arg3: memref<64x256xf32, #tpu.memory_space<vmem>>, %arg4: memref<1x256xf32, #tpu.memory_space<vmem>>, %arg5: memref<64x10xf32, #tpu.memory_space<vmem>>, %arg6: memref<1x10xf32, #tpu.memory_space<vmem>>, %arg7: memref<1x10xf32, #tpu.memory_space<vmem>>) attributes {dimension_semantics = [], scalar_prefetch = 0 : i64, scratch_operands = 0 : i64, tpu.core_type = #tpu.core_type<tc>} {
    %get3A = arith.constant 0 : index
    %get3A_0 = arith.constant 0 : index
    %get3A_1 = vector.load %arg1[%get3A, %get3A_0] : memref<128x512xf32, #tpu.memory_space<vmem>>, vector<128x512xf32>
    %get3A_2 = arith.constant 0 : index
    %get3A_3 = arith.constant 0 : index
    %get3A_4 = vector.load %arg2[%get3A_2, %get3A_3] : memref<128x256xf32, #tpu.memory_space<vmem>>, vector<128x256xf32>
    %get3A_5 = arith.constant 0 : index
    %get3A_6 = arith.constant 0 : index
    %get3A_7 = vector.load %arg3[%get3A_5, %get3A_6] : memref<64x256xf32, #tpu.memory_space<vmem>>, vector<64x256xf32>
    %get3A_8 = arith.constant 0 : index
    %get3A_9 = arith.constant 0 : index
    %get3A_10 = vector.load %arg4[%get3A_8, %get3A_9] : memref<1x256xf32, #tpu.memory_space<vmem>>, vector<1x256xf32>
    %concatenate3A = tpu.concatenate %get3A_4, %get3A_7 in 0 : vector<128x256xf32>, vector<64x256xf32> -> vector<192x256xf32>
    %broadcast_in_dim3A = arith.constant 0.000000e+00 : f32
    %broadcast_in_dim3A_11 = vector.broadcast %broadcast_in_dim3A : f32 to vector<1x128xf32>
    %broadcast_in_dim3A_12 = arith.constant 0.000000e+00 : f32
    %broadcast_in_dim3A_13 = vector.broadcast %broadcast_in_dim3A_12 : f32 to vector<1x64xf32>
    %scan3A = arith.constant 0 : i32
    %scan3A_14 = arith.constant 64 : i32
    %scan3A_15 = arith.addi %scan3A, %scan3A_14 : i32
    %scan3A_16 = arith.constant 1 : i32
    %scan3A_17:4 = scf.for %scan3A_28 = %scan3A to %scan3A_15 step %scan3A_16 iter_args(%scan3A_29 = %broadcast_in_dim3A_11, %scan3A_30 = %broadcast_in_dim3A_11, %scan3A_31 = %broadcast_in_dim3A_13, %scan3A_32 = %broadcast_in_dim3A_13) -> (vector<1x128xf32>, vector<1x128xf32>, vector<1x64xf32>, vector<1x64xf32>)  : i32 {
      %get3A_33 = arith.index_cast %scan3A_28 : i32 to index
      %get3A_34 = arith.constant 0 : index
      %get3A_35 = arith.constant 0 : index
      %get3A_36 = vector.load %arg0[%get3A_33, %get3A_34, %get3A_35] : memref<64x8x512xf32, #tpu.memory_space<vmem>>, vector<1x8x512xf32>
      %get3A_37 = vector.shape_cast %get3A_36 : vector<1x8x512xf32> to vector<8x512xf32>
      %slice3A = vector.extract_strided_slice %get3A_37 {offsets = [0, 0], sizes = [1, 512], strides = [1, 1]} : vector<8x512xf32> to vector<1x512xf32>
      %dot_general3A_38 = arith.constant dense<0.000000e+00> : vector<1x512xf32>
      %dot_general3A_39 = tpu.matmul %scan3A_29, %get3A_1, %dot_general3A_38 {dimension_numbers = #tpu.dot_dimension_numbers<[1], [0], [0], [1], [0, 0, 1, 1], [], []>, transpose_lhs_hint = false} : vector<1x128xf32>, vector<128x512xf32>, vector<1x512xf32> -> vector<1x512xf32>
      %add3A_40 = arith.addf %slice3A, %dot_general3A_39 : vector<1x512xf32>
      %slice3A_41 = vector.extract_strided_slice %add3A_40 {offsets = [0, 0], sizes = [1, 128], strides = [1, 1]} : vector<1x512xf32> to vector<1x128xf32>
      %logistic3A = arith.negf %slice3A_41 : vector<1x128xf32>
      %logistic3A_42 = math.exp %logistic3A : vector<1x128xf32>
      %logistic3A_43 = arith.constant 1.000000e+00 : f32
      %logistic3A_44 = vector.broadcast %logistic3A_43 : f32 to vector<1x128xf32>
      %logistic3A_45 = arith.addf %logistic3A_44, %logistic3A_42 : vector<1x128xf32>
      %logistic3A_46 = arith.divf %logistic3A_44, %logistic3A_45 : vector<1x128xf32>
      %slice3A_47 = vector.extract_strided_slice %add3A_40 {offsets = [0, 128], sizes = [1, 128], strides = [1, 1]} : vector<1x512xf32> to vector<1x128xf32>
      %logistic3A_48 = arith.negf %slice3A_47 : vector<1x128xf32>
      %logistic3A_49 = math.exp %logistic3A_48 : vector<1x128xf32>
      %logistic3A_50 = arith.constant 1.000000e+00 : f32
      %logistic3A_51 = vector.broadcast %logistic3A_50 : f32 to vector<1x128xf32>
      %logistic3A_52 = arith.addf %logistic3A_51, %logistic3A_49 : vector<1x128xf32>
      %logistic3A_53 = arith.divf %logistic3A_51, %logistic3A_52 : vector<1x128xf32>
      %slice3A_54 = vector.extract_strided_slice %add3A_40 {offsets = [0, 256], sizes = [1, 128], strides = [1, 1]} : vector<1x512xf32> to vector<1x128xf32>
      %tanh3A = math.tanh %slice3A_54 : vector<1x128xf32>
      %slice3A_55 = vector.extract_strided_slice %add3A_40 {offsets = [0, 384], sizes = [1, 128], strides = [1, 1]} : vector<1x512xf32> to vector<1x128xf32>
      %logistic3A_56 = arith.negf %slice3A_55 : vector<1x128xf32>
      %logistic3A_57 = math.exp %logistic3A_56 : vector<1x128xf32>
      %logistic3A_58 = arith.constant 1.000000e+00 : f32
      %logistic3A_59 = vector.broadcast %logistic3A_58 : f32 to vector<1x128xf32>
      %logistic3A_60 = arith.addf %logistic3A_59, %logistic3A_57 : vector<1x128xf32>
      %logistic3A_61 = arith.divf %logistic3A_59, %logistic3A_60 : vector<1x128xf32>
      %mul3A = arith.mulf %logistic3A_53, %scan3A_30 : vector<1x128xf32>
      %mul3A_62 = arith.mulf %logistic3A_46, %tanh3A : vector<1x128xf32>
      %add3A_63 = arith.addf %mul3A, %mul3A_62 : vector<1x128xf32>
      %tanh3A_64 = math.tanh %add3A_63 : vector<1x128xf32>
      %mul3A_65 = arith.mulf %logistic3A_61, %tanh3A_64 : vector<1x128xf32>
      %concatenate3A_66 = tpu.concatenate %mul3A_65, %scan3A_31 in 1 : vector<1x128xf32>, vector<1x64xf32> -> vector<1x192xf32>
      %dot_general3A_67 = arith.constant dense<0.000000e+00> : vector<1x256xf32>
      %dot_general3A_68 = tpu.matmul %concatenate3A_66, %concatenate3A, %dot_general3A_67 {dimension_numbers = #tpu.dot_dimension_numbers<[1], [0], [0], [1], [0, 0, 1, 1], [], []>, transpose_lhs_hint = false} : vector<1x192xf32>, vector<192x256xf32>, vector<1x256xf32> -> vector<1x256xf32>
      %add3A_69 = arith.addf %dot_general3A_68, %get3A_10 : vector<1x256xf32>
      %slice3A_70 = vector.extract_strided_slice %add3A_69 {offsets = [0, 0], sizes = [1, 64], strides = [1, 1]} : vector<1x256xf32> to vector<1x64xf32>
      %logistic3A_71 = arith.negf %slice3A_70 : vector<1x64xf32>
      %logistic3A_72 = math.exp %logistic3A_71 : vector<1x64xf32>
      %logistic3A_73 = arith.constant 1.000000e+00 : f32
      %logistic3A_74 = vector.broadcast %logistic3A_73 : f32 to vector<1x64xf32>
      %logistic3A_75 = arith.addf %logistic3A_74, %logistic3A_72 : vector<1x64xf32>
      %logistic3A_76 = arith.divf %logistic3A_74, %logistic3A_75 : vector<1x64xf32>
      %slice3A_77 = vector.extract_strided_slice %add3A_69 {offsets = [0, 64], sizes = [1, 64], strides = [1, 1]} : vector<1x256xf32> to vector<1x64xf32>
      %logistic3A_78 = arith.negf %slice3A_77 : vector<1x64xf32>
      %logistic3A_79 = math.exp %logistic3A_78 : vector<1x64xf32>
      %logistic3A_80 = arith.constant 1.000000e+00 : f32
      %logistic3A_81 = vector.broadcast %logistic3A_80 : f32 to vector<1x64xf32>
      %logistic3A_82 = arith.addf %logistic3A_81, %logistic3A_79 : vector<1x64xf32>
      %logistic3A_83 = arith.divf %logistic3A_81, %logistic3A_82 : vector<1x64xf32>
      %slice3A_84 = vector.extract_strided_slice %add3A_69 {offsets = [0, 128], sizes = [1, 64], strides = [1, 1]} : vector<1x256xf32> to vector<1x64xf32>
      %tanh3A_85 = math.tanh %slice3A_84 : vector<1x64xf32>
      %slice3A_86 = vector.extract_strided_slice %add3A_69 {offsets = [0, 192], sizes = [1, 64], strides = [1, 1]} : vector<1x256xf32> to vector<1x64xf32>
      %logistic3A_87 = arith.negf %slice3A_86 : vector<1x64xf32>
      %logistic3A_88 = math.exp %logistic3A_87 : vector<1x64xf32>
      %logistic3A_89 = arith.constant 1.000000e+00 : f32
      %logistic3A_90 = vector.broadcast %logistic3A_89 : f32 to vector<1x64xf32>
      %logistic3A_91 = arith.addf %logistic3A_90, %logistic3A_88 : vector<1x64xf32>
      %logistic3A_92 = arith.divf %logistic3A_90, %logistic3A_91 : vector<1x64xf32>
      %mul3A_93 = arith.mulf %logistic3A_83, %scan3A_32 : vector<1x64xf32>
      %mul3A_94 = arith.mulf %logistic3A_76, %tanh3A_85 : vector<1x64xf32>
      %add3A_95 = arith.addf %mul3A_93, %mul3A_94 : vector<1x64xf32>
      %tanh3A_96 = math.tanh %add3A_95 : vector<1x64xf32>
      %mul3A_97 = arith.mulf %logistic3A_92, %tanh3A_96 : vector<1x64xf32>
      %slice3A_98 = vector.extract_strided_slice %get3A_37 {offsets = [1, 0], sizes = [1, 512], strides = [1, 1]} : vector<8x512xf32> to vector<1x512xf32>
      %dot_general3A_99 = arith.constant dense<0.000000e+00> : vector<1x512xf32>
      %dot_general3A_100 = tpu.matmul %mul3A_65, %get3A_1, %dot_general3A_99 {dimension_numbers = #tpu.dot_dimension_numbers<[1], [0], [0], [1], [0, 0, 1, 1], [], []>, transpose_lhs_hint = false} : vector<1x128xf32>, vector<128x512xf32>, vector<1x512xf32> -> vector<1x512xf32>
      %add3A_101 = arith.addf %slice3A_98, %dot_general3A_100 : vector<1x512xf32>
      %slice3A_102 = vector.extract_strided_slice %add3A_101 {offsets = [0, 0], sizes = [1, 128], strides = [1, 1]} : vector<1x512xf32> to vector<1x128xf32>
      %logistic3A_103 = arith.negf %slice3A_102 : vector<1x128xf32>
      %logistic3A_104 = math.exp %logistic3A_103 : vector<1x128xf32>
      %logistic3A_105 = arith.constant 1.000000e+00 : f32
      %logistic3A_106 = vector.broadcast %logistic3A_105 : f32 to vector<1x128xf32>
      %logistic3A_107 = arith.addf %logistic3A_106, %logistic3A_104 : vector<1x128xf32>
      %logistic3A_108 = arith.divf %logistic3A_106, %logistic3A_107 : vector<1x128xf32>
      %slice3A_109 = vector.extract_strided_slice %add3A_101 {offsets = [0, 128], sizes = [1, 128], strides = [1, 1]} : vector<1x512xf32> to vector<1x128xf32>
      %logistic3A_110 = arith.negf %slice3A_109 : vector<1x128xf32>
      %logistic3A_111 = math.exp %logistic3A_110 : vector<1x128xf32>
      %logistic3A_112 = arith.constant 1.000000e+00 : f32
      %logistic3A_113 = vector.broadcast %logistic3A_112 : f32 to vector<1x128xf32>
      %logistic3A_114 = arith.addf %logistic3A_113, %logistic3A_111 : vector<1x128xf32>
      %logistic3A_115 = arith.divf %logistic3A_113, %logistic3A_114 : vector<1x128xf32>
      %slice3A_116 = vector.extract_strided_slice %add3A_101 {offsets = [0, 256], sizes = [1, 128], strides = [1, 1]} : vector<1x512xf32> to vector<1x128xf32>
      %tanh3A_117 = math.tanh %slice3A_116 : vector<1x128xf32>
      %slice3A_118 = vector.extract_strided_slice %add3A_101 {offsets = [0, 384], sizes = [1, 128], strides = [1, 1]} : vector<1x512xf32> to vector<1x128xf32>
      %logistic3A_119 = arith.negf %slice3A_118 : vector<1x128xf32>
      %logistic3A_120 = math.exp %logistic3A_119 : vector<1x128xf32>
      %logistic3A_121 = arith.constant 1.000000e+00 : f32
      %logistic3A_122 = vector.broadcast %logistic3A_121 : f32 to vector<1x128xf32>
      %logistic3A_123 = arith.addf %logistic3A_122, %logistic3A_120 : vector<1x128xf32>
      %logistic3A_124 = arith.divf %logistic3A_122, %logistic3A_123 : vector<1x128xf32>
      %mul3A_125 = arith.mulf %logistic3A_115, %add3A_63 : vector<1x128xf32>
      %mul3A_126 = arith.mulf %logistic3A_108, %tanh3A_117 : vector<1x128xf32>
      %add3A_127 = arith.addf %mul3A_125, %mul3A_126 : vector<1x128xf32>
      %tanh3A_128 = math.tanh %add3A_127 : vector<1x128xf32>
      %mul3A_129 = arith.mulf %logistic3A_124, %tanh3A_128 : vector<1x128xf32>
      %concatenate3A_130 = tpu.concatenate %mul3A_129, %mul3A_97 in 1 : vector<1x128xf32>, vector<1x64xf32> -> vector<1x192xf32>
      %dot_general3A_131 = arith.constant dense<0.000000e+00> : vector<1x256xf32>
      %dot_general3A_132 = tpu.matmul %concatenate3A_130, %concatenate3A, %dot_general3A_131 {dimension_numbers = #tpu.dot_dimension_numbers<[1], [0], [0], [1], [0, 0, 1, 1], [], []>, transpose_lhs_hint = false} : vector<1x192xf32>, vector<192x256xf32>, vector<1x256xf32> -> vector<1x256xf32>
      %add3A_133 = arith.addf %dot_general3A_132, %get3A_10 : vector<1x256xf32>
      %slice3A_134 = vector.extract_strided_slice %add3A_133 {offsets = [0, 0], sizes = [1, 64], strides = [1, 1]} : vector<1x256xf32> to vector<1x64xf32>
      %logistic3A_135 = arith.negf %slice3A_134 : vector<1x64xf32>
      %logistic3A_136 = math.exp %logistic3A_135 : vector<1x64xf32>
      %logistic3A_137 = arith.constant 1.000000e+00 : f32
      %logistic3A_138 = vector.broadcast %logistic3A_137 : f32 to vector<1x64xf32>
      %logistic3A_139 = arith.addf %logistic3A_138, %logistic3A_136 : vector<1x64xf32>
      %logistic3A_140 = arith.divf %logistic3A_138, %logistic3A_139 : vector<1x64xf32>
      %slice3A_141 = vector.extract_strided_slice %add3A_133 {offsets = [0, 64], sizes = [1, 64], strides = [1, 1]} : vector<1x256xf32> to vector<1x64xf32>
      %logistic3A_142 = arith.negf %slice3A_141 : vector<1x64xf32>
      %logistic3A_143 = math.exp %logistic3A_142 : vector<1x64xf32>
      %logistic3A_144 = arith.constant 1.000000e+00 : f32
      %logistic3A_145 = vector.broadcast %logistic3A_144 : f32 to vector<1x64xf32>
      %logistic3A_146 = arith.addf %logistic3A_145, %logistic3A_143 : vector<1x64xf32>
      %logistic3A_147 = arith.divf %logistic3A_145, %logistic3A_146 : vector<1x64xf32>
      %slice3A_148 = vector.extract_strided_slice %add3A_133 {offsets = [0, 128], sizes = [1, 64], strides = [1, 1]} : vector<1x256xf32> to vector<1x64xf32>
      %tanh3A_149 = math.tanh %slice3A_148 : vector<1x64xf32>
      %slice3A_150 = vector.extract_strided_slice %add3A_133 {offsets = [0, 192], sizes = [1, 64], strides = [1, 1]} : vector<1x256xf32> to vector<1x64xf32>
      %logistic3A_151 = arith.negf %slice3A_150 : vector<1x64xf32>
      %logistic3A_152 = math.exp %logistic3A_151 : vector<1x64xf32>
      %logistic3A_153 = arith.constant 1.000000e+00 : f32
      %logistic3A_154 = vector.broadcast %logistic3A_153 : f32 to vector<1x64xf32>
      %logistic3A_155 = arith.addf %logistic3A_154, %logistic3A_152 : vector<1x64xf32>
      %logistic3A_156 = arith.divf %logistic3A_154, %logistic3A_155 : vector<1x64xf32>
      %mul3A_157 = arith.mulf %logistic3A_147, %add3A_95 : vector<1x64xf32>
      %mul3A_158 = arith.mulf %logistic3A_140, %tanh3A_149 : vector<1x64xf32>
      %add3A_159 = arith.addf %mul3A_157, %mul3A_158 : vector<1x64xf32>
      %tanh3A_160 = math.tanh %add3A_159 : vector<1x64xf32>
      %mul3A_161 = arith.mulf %logistic3A_156, %tanh3A_160 : vector<1x64xf32>
      %slice3A_162 = vector.extract_strided_slice %get3A_37 {offsets = [2, 0], sizes = [1, 512], strides = [1, 1]} : vector<8x512xf32> to vector<1x512xf32>
      %dot_general3A_163 = arith.constant dense<0.000000e+00> : vector<1x512xf32>
      %dot_general3A_164 = tpu.matmul %mul3A_129, %get3A_1, %dot_general3A_163 {dimension_numbers = #tpu.dot_dimension_numbers<[1], [0], [0], [1], [0, 0, 1, 1], [], []>, transpose_lhs_hint = false} : vector<1x128xf32>, vector<128x512xf32>, vector<1x512xf32> -> vector<1x512xf32>
      %add3A_165 = arith.addf %slice3A_162, %dot_general3A_164 : vector<1x512xf32>
      %slice3A_166 = vector.extract_strided_slice %add3A_165 {offsets = [0, 0], sizes = [1, 128], strides = [1, 1]} : vector<1x512xf32> to vector<1x128xf32>
      %logistic3A_167 = arith.negf %slice3A_166 : vector<1x128xf32>
      %logistic3A_168 = math.exp %logistic3A_167 : vector<1x128xf32>
      %logistic3A_169 = arith.constant 1.000000e+00 : f32
      %logistic3A_170 = vector.broadcast %logistic3A_169 : f32 to vector<1x128xf32>
      %logistic3A_171 = arith.addf %logistic3A_170, %logistic3A_168 : vector<1x128xf32>
      %logistic3A_172 = arith.divf %logistic3A_170, %logistic3A_171 : vector<1x128xf32>
      %slice3A_173 = vector.extract_strided_slice %add3A_165 {offsets = [0, 128], sizes = [1, 128], strides = [1, 1]} : vector<1x512xf32> to vector<1x128xf32>
      %logistic3A_174 = arith.negf %slice3A_173 : vector<1x128xf32>
      %logistic3A_175 = math.exp %logistic3A_174 : vector<1x128xf32>
      %logistic3A_176 = arith.constant 1.000000e+00 : f32
      %logistic3A_177 = vector.broadcast %logistic3A_176 : f32 to vector<1x128xf32>
      %logistic3A_178 = arith.addf %logistic3A_177, %logistic3A_175 : vector<1x128xf32>
      %logistic3A_179 = arith.divf %logistic3A_177, %logistic3A_178 : vector<1x128xf32>
      %slice3A_180 = vector.extract_strided_slice %add3A_165 {offsets = [0, 256], sizes = [1, 128], strides = [1, 1]} : vector<1x512xf32> to vector<1x128xf32>
      %tanh3A_181 = math.tanh %slice3A_180 : vector<1x128xf32>
      %slice3A_182 = vector.extract_strided_slice %add3A_165 {offsets = [0, 384], sizes = [1, 128], strides = [1, 1]} : vector<1x512xf32> to vector<1x128xf32>
      %logistic3A_183 = arith.negf %slice3A_182 : vector<1x128xf32>
      %logistic3A_184 = math.exp %logistic3A_183 : vector<1x128xf32>
      %logistic3A_185 = arith.constant 1.000000e+00 : f32
      %logistic3A_186 = vector.broadcast %logistic3A_185 : f32 to vector<1x128xf32>
      %logistic3A_187 = arith.addf %logistic3A_186, %logistic3A_184 : vector<1x128xf32>
      %logistic3A_188 = arith.divf %logistic3A_186, %logistic3A_187 : vector<1x128xf32>
      %mul3A_189 = arith.mulf %logistic3A_179, %add3A_127 : vector<1x128xf32>
      %mul3A_190 = arith.mulf %logistic3A_172, %tanh3A_181 : vector<1x128xf32>
      %add3A_191 = arith.addf %mul3A_189, %mul3A_190 : vector<1x128xf32>
      %tanh3A_192 = math.tanh %add3A_191 : vector<1x128xf32>
      %mul3A_193 = arith.mulf %logistic3A_188, %tanh3A_192 : vector<1x128xf32>
      %concatenate3A_194 = tpu.concatenate %mul3A_193, %mul3A_161 in 1 : vector<1x128xf32>, vector<1x64xf32> -> vector<1x192xf32>
      %dot_general3A_195 = arith.constant dense<0.000000e+00> : vector<1x256xf32>
      %dot_general3A_196 = tpu.matmul %concatenate3A_194, %concatenate3A, %dot_general3A_195 {dimension_numbers = #tpu.dot_dimension_numbers<[1], [0], [0], [1], [0, 0, 1, 1], [], []>, transpose_lhs_hint = false} : vector<1x192xf32>, vector<192x256xf32>, vector<1x256xf32> -> vector<1x256xf32>
      %add3A_197 = arith.addf %dot_general3A_196, %get3A_10 : vector<1x256xf32>
      %slice3A_198 = vector.extract_strided_slice %add3A_197 {offsets = [0, 0], sizes = [1, 64], strides = [1, 1]} : vector<1x256xf32> to vector<1x64xf32>
      %logistic3A_199 = arith.negf %slice3A_198 : vector<1x64xf32>
      %logistic3A_200 = math.exp %logistic3A_199 : vector<1x64xf32>
      %logistic3A_201 = arith.constant 1.000000e+00 : f32
      %logistic3A_202 = vector.broadcast %logistic3A_201 : f32 to vector<1x64xf32>
      %logistic3A_203 = arith.addf %logistic3A_202, %logistic3A_200 : vector<1x64xf32>
      %logistic3A_204 = arith.divf %logistic3A_202, %logistic3A_203 : vector<1x64xf32>
      %slice3A_205 = vector.extract_strided_slice %add3A_197 {offsets = [0, 64], sizes = [1, 64], strides = [1, 1]} : vector<1x256xf32> to vector<1x64xf32>
      %logistic3A_206 = arith.negf %slice3A_205 : vector<1x64xf32>
      %logistic3A_207 = math.exp %logistic3A_206 : vector<1x64xf32>
      %logistic3A_208 = arith.constant 1.000000e+00 : f32
      %logistic3A_209 = vector.broadcast %logistic3A_208 : f32 to vector<1x64xf32>
      %logistic3A_210 = arith.addf %logistic3A_209, %logistic3A_207 : vector<1x64xf32>
      %logistic3A_211 = arith.divf %logistic3A_209, %logistic3A_210 : vector<1x64xf32>
      %slice3A_212 = vector.extract_strided_slice %add3A_197 {offsets = [0, 128], sizes = [1, 64], strides = [1, 1]} : vector<1x256xf32> to vector<1x64xf32>
      %tanh3A_213 = math.tanh %slice3A_212 : vector<1x64xf32>
      %slice3A_214 = vector.extract_strided_slice %add3A_197 {offsets = [0, 192], sizes = [1, 64], strides = [1, 1]} : vector<1x256xf32> to vector<1x64xf32>
      %logistic3A_215 = arith.negf %slice3A_214 : vector<1x64xf32>
      %logistic3A_216 = math.exp %logistic3A_215 : vector<1x64xf32>
      %logistic3A_217 = arith.constant 1.000000e+00 : f32
      %logistic3A_218 = vector.broadcast %logistic3A_217 : f32 to vector<1x64xf32>
      %logistic3A_219 = arith.addf %logistic3A_218, %logistic3A_216 : vector<1x64xf32>
      %logistic3A_220 = arith.divf %logistic3A_218, %logistic3A_219 : vector<1x64xf32>
      %mul3A_221 = arith.mulf %logistic3A_211, %add3A_159 : vector<1x64xf32>
      %mul3A_222 = arith.mulf %logistic3A_204, %tanh3A_213 : vector<1x64xf32>
      %add3A_223 = arith.addf %mul3A_221, %mul3A_222 : vector<1x64xf32>
      %tanh3A_224 = math.tanh %add3A_223 : vector<1x64xf32>
      %mul3A_225 = arith.mulf %logistic3A_220, %tanh3A_224 : vector<1x64xf32>
      %slice3A_226 = vector.extract_strided_slice %get3A_37 {offsets = [3, 0], sizes = [1, 512], strides = [1, 1]} : vector<8x512xf32> to vector<1x512xf32>
      %dot_general3A_227 = arith.constant dense<0.000000e+00> : vector<1x512xf32>
      %dot_general3A_228 = tpu.matmul %mul3A_193, %get3A_1, %dot_general3A_227 {dimension_numbers = #tpu.dot_dimension_numbers<[1], [0], [0], [1], [0, 0, 1, 1], [], []>, transpose_lhs_hint = false} : vector<1x128xf32>, vector<128x512xf32>, vector<1x512xf32> -> vector<1x512xf32>
      %add3A_229 = arith.addf %slice3A_226, %dot_general3A_228 : vector<1x512xf32>
      %slice3A_230 = vector.extract_strided_slice %add3A_229 {offsets = [0, 0], sizes = [1, 128], strides = [1, 1]} : vector<1x512xf32> to vector<1x128xf32>
      %logistic3A_231 = arith.negf %slice3A_230 : vector<1x128xf32>
      %logistic3A_232 = math.exp %logistic3A_231 : vector<1x128xf32>
      %logistic3A_233 = arith.constant 1.000000e+00 : f32
      %logistic3A_234 = vector.broadcast %logistic3A_233 : f32 to vector<1x128xf32>
      %logistic3A_235 = arith.addf %logistic3A_234, %logistic3A_232 : vector<1x128xf32>
      %logistic3A_236 = arith.divf %logistic3A_234, %logistic3A_235 : vector<1x128xf32>
      %slice3A_237 = vector.extract_strided_slice %add3A_229 {offsets = [0, 128], sizes = [1, 128], strides = [1, 1]} : vector<1x512xf32> to vector<1x128xf32>
      %logistic3A_238 = arith.negf %slice3A_237 : vector<1x128xf32>
      %logistic3A_239 = math.exp %logistic3A_238 : vector<1x128xf32>
      %logistic3A_240 = arith.constant 1.000000e+00 : f32
      %logistic3A_241 = vector.broadcast %logistic3A_240 : f32 to vector<1x128xf32>
      %logistic3A_242 = arith.addf %logistic3A_241, %logistic3A_239 : vector<1x128xf32>
      %logistic3A_243 = arith.divf %logistic3A_241, %logistic3A_242 : vector<1x128xf32>
      %slice3A_244 = vector.extract_strided_slice %add3A_229 {offsets = [0, 256], sizes = [1, 128], strides = [1, 1]} : vector<1x512xf32> to vector<1x128xf32>
      %tanh3A_245 = math.tanh %slice3A_244 : vector<1x128xf32>
      %slice3A_246 = vector.extract_strided_slice %add3A_229 {offsets = [0, 384], sizes = [1, 128], strides = [1, 1]} : vector<1x512xf32> to vector<1x128xf32>
      %logistic3A_247 = arith.negf %slice3A_246 : vector<1x128xf32>
      %logistic3A_248 = math.exp %logistic3A_247 : vector<1x128xf32>
      %logistic3A_249 = arith.constant 1.000000e+00 : f32
      %logistic3A_250 = vector.broadcast %logistic3A_249 : f32 to vector<1x128xf32>
      %logistic3A_251 = arith.addf %logistic3A_250, %logistic3A_248 : vector<1x128xf32>
      %logistic3A_252 = arith.divf %logistic3A_250, %logistic3A_251 : vector<1x128xf32>
      %mul3A_253 = arith.mulf %logistic3A_243, %add3A_191 : vector<1x128xf32>
      %mul3A_254 = arith.mulf %logistic3A_236, %tanh3A_245 : vector<1x128xf32>
      %add3A_255 = arith.addf %mul3A_253, %mul3A_254 : vector<1x128xf32>
      %tanh3A_256 = math.tanh %add3A_255 : vector<1x128xf32>
      %mul3A_257 = arith.mulf %logistic3A_252, %tanh3A_256 : vector<1x128xf32>
      %concatenate3A_258 = tpu.concatenate %mul3A_257, %mul3A_225 in 1 : vector<1x128xf32>, vector<1x64xf32> -> vector<1x192xf32>
      %dot_general3A_259 = arith.constant dense<0.000000e+00> : vector<1x256xf32>
      %dot_general3A_260 = tpu.matmul %concatenate3A_258, %concatenate3A, %dot_general3A_259 {dimension_numbers = #tpu.dot_dimension_numbers<[1], [0], [0], [1], [0, 0, 1, 1], [], []>, transpose_lhs_hint = false} : vector<1x192xf32>, vector<192x256xf32>, vector<1x256xf32> -> vector<1x256xf32>
      %add3A_261 = arith.addf %dot_general3A_260, %get3A_10 : vector<1x256xf32>
      %slice3A_262 = vector.extract_strided_slice %add3A_261 {offsets = [0, 0], sizes = [1, 64], strides = [1, 1]} : vector<1x256xf32> to vector<1x64xf32>
      %logistic3A_263 = arith.negf %slice3A_262 : vector<1x64xf32>
      %logistic3A_264 = math.exp %logistic3A_263 : vector<1x64xf32>
      %logistic3A_265 = arith.constant 1.000000e+00 : f32
      %logistic3A_266 = vector.broadcast %logistic3A_265 : f32 to vector<1x64xf32>
      %logistic3A_267 = arith.addf %logistic3A_266, %logistic3A_264 : vector<1x64xf32>
      %logistic3A_268 = arith.divf %logistic3A_266, %logistic3A_267 : vector<1x64xf32>
      %slice3A_269 = vector.extract_strided_slice %add3A_261 {offsets = [0, 64], sizes = [1, 64], strides = [1, 1]} : vector<1x256xf32> to vector<1x64xf32>
      %logistic3A_270 = arith.negf %slice3A_269 : vector<1x64xf32>
      %logistic3A_271 = math.exp %logistic3A_270 : vector<1x64xf32>
      %logistic3A_272 = arith.constant 1.000000e+00 : f32
      %logistic3A_273 = vector.broadcast %logistic3A_272 : f32 to vector<1x64xf32>
      %logistic3A_274 = arith.addf %logistic3A_273, %logistic3A_271 : vector<1x64xf32>
      %logistic3A_275 = arith.divf %logistic3A_273, %logistic3A_274 : vector<1x64xf32>
      %slice3A_276 = vector.extract_strided_slice %add3A_261 {offsets = [0, 128], sizes = [1, 64], strides = [1, 1]} : vector<1x256xf32> to vector<1x64xf32>
      %tanh3A_277 = math.tanh %slice3A_276 : vector<1x64xf32>
      %slice3A_278 = vector.extract_strided_slice %add3A_261 {offsets = [0, 192], sizes = [1, 64], strides = [1, 1]} : vector<1x256xf32> to vector<1x64xf32>
      %logistic3A_279 = arith.negf %slice3A_278 : vector<1x64xf32>
      %logistic3A_280 = math.exp %logistic3A_279 : vector<1x64xf32>
      %logistic3A_281 = arith.constant 1.000000e+00 : f32
      %logistic3A_282 = vector.broadcast %logistic3A_281 : f32 to vector<1x64xf32>
      %logistic3A_283 = arith.addf %logistic3A_282, %logistic3A_280 : vector<1x64xf32>
      %logistic3A_284 = arith.divf %logistic3A_282, %logistic3A_283 : vector<1x64xf32>
      %mul3A_285 = arith.mulf %logistic3A_275, %add3A_223 : vector<1x64xf32>
      %mul3A_286 = arith.mulf %logistic3A_268, %tanh3A_277 : vector<1x64xf32>
      %add3A_287 = arith.addf %mul3A_285, %mul3A_286 : vector<1x64xf32>
      %tanh3A_288 = math.tanh %add3A_287 : vector<1x64xf32>
      %mul3A_289 = arith.mulf %logistic3A_284, %tanh3A_288 : vector<1x64xf32>
      %slice3A_290 = vector.extract_strided_slice %get3A_37 {offsets = [4, 0], sizes = [1, 512], strides = [1, 1]} : vector<8x512xf32> to vector<1x512xf32>
      %dot_general3A_291 = arith.constant dense<0.000000e+00> : vector<1x512xf32>
      %dot_general3A_292 = tpu.matmul %mul3A_257, %get3A_1, %dot_general3A_291 {dimension_numbers = #tpu.dot_dimension_numbers<[1], [0], [0], [1], [0, 0, 1, 1], [], []>, transpose_lhs_hint = false} : vector<1x128xf32>, vector<128x512xf32>, vector<1x512xf32> -> vector<1x512xf32>
      %add3A_293 = arith.addf %slice3A_290, %dot_general3A_292 : vector<1x512xf32>
      %slice3A_294 = vector.extract_strided_slice %add3A_293 {offsets = [0, 0], sizes = [1, 128], strides = [1, 1]} : vector<1x512xf32> to vector<1x128xf32>
      %logistic3A_295 = arith.negf %slice3A_294 : vector<1x128xf32>
      %logistic3A_296 = math.exp %logistic3A_295 : vector<1x128xf32>
      %logistic3A_297 = arith.constant 1.000000e+00 : f32
      %logistic3A_298 = vector.broadcast %logistic3A_297 : f32 to vector<1x128xf32>
      %logistic3A_299 = arith.addf %logistic3A_298, %logistic3A_296 : vector<1x128xf32>
      %logistic3A_300 = arith.divf %logistic3A_298, %logistic3A_299 : vector<1x128xf32>
      %slice3A_301 = vector.extract_strided_slice %add3A_293 {offsets = [0, 128], sizes = [1, 128], strides = [1, 1]} : vector<1x512xf32> to vector<1x128xf32>
      %logistic3A_302 = arith.negf %slice3A_301 : vector<1x128xf32>
      %logistic3A_303 = math.exp %logistic3A_302 : vector<1x128xf32>
      %logistic3A_304 = arith.constant 1.000000e+00 : f32
      %logistic3A_305 = vector.broadcast %logistic3A_304 : f32 to vector<1x128xf32>
      %logistic3A_306 = arith.addf %logistic3A_305, %logistic3A_303 : vector<1x128xf32>
      %logistic3A_307 = arith.divf %logistic3A_305, %logistic3A_306 : vector<1x128xf32>
      %slice3A_308 = vector.extract_strided_slice %add3A_293 {offsets = [0, 256], sizes = [1, 128], strides = [1, 1]} : vector<1x512xf32> to vector<1x128xf32>
      %tanh3A_309 = math.tanh %slice3A_308 : vector<1x128xf32>
      %slice3A_310 = vector.extract_strided_slice %add3A_293 {offsets = [0, 384], sizes = [1, 128], strides = [1, 1]} : vector<1x512xf32> to vector<1x128xf32>
      %logistic3A_311 = arith.negf %slice3A_310 : vector<1x128xf32>
      %logistic3A_312 = math.exp %logistic3A_311 : vector<1x128xf32>
      %logistic3A_313 = arith.constant 1.000000e+00 : f32
      %logistic3A_314 = vector.broadcast %logistic3A_313 : f32 to vector<1x128xf32>
      %logistic3A_315 = arith.addf %logistic3A_314, %logistic3A_312 : vector<1x128xf32>
      %logistic3A_316 = arith.divf %logistic3A_314, %logistic3A_315 : vector<1x128xf32>
      %mul3A_317 = arith.mulf %logistic3A_307, %add3A_255 : vector<1x128xf32>
      %mul3A_318 = arith.mulf %logistic3A_300, %tanh3A_309 : vector<1x128xf32>
      %add3A_319 = arith.addf %mul3A_317, %mul3A_318 : vector<1x128xf32>
      %tanh3A_320 = math.tanh %add3A_319 : vector<1x128xf32>
      %mul3A_321 = arith.mulf %logistic3A_316, %tanh3A_320 : vector<1x128xf32>
      %concatenate3A_322 = tpu.concatenate %mul3A_321, %mul3A_289 in 1 : vector<1x128xf32>, vector<1x64xf32> -> vector<1x192xf32>
      %dot_general3A_323 = arith.constant dense<0.000000e+00> : vector<1x256xf32>
      %dot_general3A_324 = tpu.matmul %concatenate3A_322, %concatenate3A, %dot_general3A_323 {dimension_numbers = #tpu.dot_dimension_numbers<[1], [0], [0], [1], [0, 0, 1, 1], [], []>, transpose_lhs_hint = false} : vector<1x192xf32>, vector<192x256xf32>, vector<1x256xf32> -> vector<1x256xf32>
      %add3A_325 = arith.addf %dot_general3A_324, %get3A_10 : vector<1x256xf32>
      %slice3A_326 = vector.extract_strided_slice %add3A_325 {offsets = [0, 0], sizes = [1, 64], strides = [1, 1]} : vector<1x256xf32> to vector<1x64xf32>
      %logistic3A_327 = arith.negf %slice3A_326 : vector<1x64xf32>
      %logistic3A_328 = math.exp %logistic3A_327 : vector<1x64xf32>
      %logistic3A_329 = arith.constant 1.000000e+00 : f32
      %logistic3A_330 = vector.broadcast %logistic3A_329 : f32 to vector<1x64xf32>
      %logistic3A_331 = arith.addf %logistic3A_330, %logistic3A_328 : vector<1x64xf32>
      %logistic3A_332 = arith.divf %logistic3A_330, %logistic3A_331 : vector<1x64xf32>
      %slice3A_333 = vector.extract_strided_slice %add3A_325 {offsets = [0, 64], sizes = [1, 64], strides = [1, 1]} : vector<1x256xf32> to vector<1x64xf32>
      %logistic3A_334 = arith.negf %slice3A_333 : vector<1x64xf32>
      %logistic3A_335 = math.exp %logistic3A_334 : vector<1x64xf32>
      %logistic3A_336 = arith.constant 1.000000e+00 : f32
      %logistic3A_337 = vector.broadcast %logistic3A_336 : f32 to vector<1x64xf32>
      %logistic3A_338 = arith.addf %logistic3A_337, %logistic3A_335 : vector<1x64xf32>
      %logistic3A_339 = arith.divf %logistic3A_337, %logistic3A_338 : vector<1x64xf32>
      %slice3A_340 = vector.extract_strided_slice %add3A_325 {offsets = [0, 128], sizes = [1, 64], strides = [1, 1]} : vector<1x256xf32> to vector<1x64xf32>
      %tanh3A_341 = math.tanh %slice3A_340 : vector<1x64xf32>
      %slice3A_342 = vector.extract_strided_slice %add3A_325 {offsets = [0, 192], sizes = [1, 64], strides = [1, 1]} : vector<1x256xf32> to vector<1x64xf32>
      %logistic3A_343 = arith.negf %slice3A_342 : vector<1x64xf32>
      %logistic3A_344 = math.exp %logistic3A_343 : vector<1x64xf32>
      %logistic3A_345 = arith.constant 1.000000e+00 : f32
      %logistic3A_346 = vector.broadcast %logistic3A_345 : f32 to vector<1x64xf32>
      %logistic3A_347 = arith.addf %logistic3A_346, %logistic3A_344 : vector<1x64xf32>
      %logistic3A_348 = arith.divf %logistic3A_346, %logistic3A_347 : vector<1x64xf32>
      %mul3A_349 = arith.mulf %logistic3A_339, %add3A_287 : vector<1x64xf32>
      %mul3A_350 = arith.mulf %logistic3A_332, %tanh3A_341 : vector<1x64xf32>
      %add3A_351 = arith.addf %mul3A_349, %mul3A_350 : vector<1x64xf32>
      %tanh3A_352 = math.tanh %add3A_351 : vector<1x64xf32>
      %mul3A_353 = arith.mulf %logistic3A_348, %tanh3A_352 : vector<1x64xf32>
      %slice3A_354 = vector.extract_strided_slice %get3A_37 {offsets = [5, 0], sizes = [1, 512], strides = [1, 1]} : vector<8x512xf32> to vector<1x512xf32>
      %dot_general3A_355 = arith.constant dense<0.000000e+00> : vector<1x512xf32>
      %dot_general3A_356 = tpu.matmul %mul3A_321, %get3A_1, %dot_general3A_355 {dimension_numbers = #tpu.dot_dimension_numbers<[1], [0], [0], [1], [0, 0, 1, 1], [], []>, transpose_lhs_hint = false} : vector<1x128xf32>, vector<128x512xf32>, vector<1x512xf32> -> vector<1x512xf32>
      %add3A_357 = arith.addf %slice3A_354, %dot_general3A_356 : vector<1x512xf32>
      %slice3A_358 = vector.extract_strided_slice %add3A_357 {offsets = [0, 0], sizes = [1, 128], strides = [1, 1]} : vector<1x512xf32> to vector<1x128xf32>
      %logistic3A_359 = arith.negf %slice3A_358 : vector<1x128xf32>
      %logistic3A_360 = math.exp %logistic3A_359 : vector<1x128xf32>
      %logistic3A_361 = arith.constant 1.000000e+00 : f32
      %logistic3A_362 = vector.broadcast %logistic3A_361 : f32 to vector<1x128xf32>
      %logistic3A_363 = arith.addf %logistic3A_362, %logistic3A_360 : vector<1x128xf32>
      %logistic3A_364 = arith.divf %logistic3A_362, %logistic3A_363 : vector<1x128xf32>
      %slice3A_365 = vector.extract_strided_slice %add3A_357 {offsets = [0, 128], sizes = [1, 128], strides = [1, 1]} : vector<1x512xf32> to vector<1x128xf32>
      %logistic3A_366 = arith.negf %slice3A_365 : vector<1x128xf32>
      %logistic3A_367 = math.exp %logistic3A_366 : vector<1x128xf32>
      %logistic3A_368 = arith.constant 1.000000e+00 : f32
      %logistic3A_369 = vector.broadcast %logistic3A_368 : f32 to vector<1x128xf32>
      %logistic3A_370 = arith.addf %logistic3A_369, %logistic3A_367 : vector<1x128xf32>
      %logistic3A_371 = arith.divf %logistic3A_369, %logistic3A_370 : vector<1x128xf32>
      %slice3A_372 = vector.extract_strided_slice %add3A_357 {offsets = [0, 256], sizes = [1, 128], strides = [1, 1]} : vector<1x512xf32> to vector<1x128xf32>
      %tanh3A_373 = math.tanh %slice3A_372 : vector<1x128xf32>
      %slice3A_374 = vector.extract_strided_slice %add3A_357 {offsets = [0, 384], sizes = [1, 128], strides = [1, 1]} : vector<1x512xf32> to vector<1x128xf32>
      %logistic3A_375 = arith.negf %slice3A_374 : vector<1x128xf32>
      %logistic3A_376 = math.exp %logistic3A_375 : vector<1x128xf32>
      %logistic3A_377 = arith.constant 1.000000e+00 : f32
      %logistic3A_378 = vector.broadcast %logistic3A_377 : f32 to vector<1x128xf32>
      %logistic3A_379 = arith.addf %logistic3A_378, %logistic3A_376 : vector<1x128xf32>
      %logistic3A_380 = arith.divf %logistic3A_378, %logistic3A_379 : vector<1x128xf32>
      %mul3A_381 = arith.mulf %logistic3A_371, %add3A_319 : vector<1x128xf32>
      %mul3A_382 = arith.mulf %logistic3A_364, %tanh3A_373 : vector<1x128xf32>
      %add3A_383 = arith.addf %mul3A_381, %mul3A_382 : vector<1x128xf32>
      %tanh3A_384 = math.tanh %add3A_383 : vector<1x128xf32>
      %mul3A_385 = arith.mulf %logistic3A_380, %tanh3A_384 : vector<1x128xf32>
      %concatenate3A_386 = tpu.concatenate %mul3A_385, %mul3A_353 in 1 : vector<1x128xf32>, vector<1x64xf32> -> vector<1x192xf32>
      %dot_general3A_387 = arith.constant dense<0.000000e+00> : vector<1x256xf32>
      %dot_general3A_388 = tpu.matmul %concatenate3A_386, %concatenate3A, %dot_general3A_387 {dimension_numbers = #tpu.dot_dimension_numbers<[1], [0], [0], [1], [0, 0, 1, 1], [], []>, transpose_lhs_hint = false} : vector<1x192xf32>, vector<192x256xf32>, vector<1x256xf32> -> vector<1x256xf32>
      %add3A_389 = arith.addf %dot_general3A_388, %get3A_10 : vector<1x256xf32>
      %slice3A_390 = vector.extract_strided_slice %add3A_389 {offsets = [0, 0], sizes = [1, 64], strides = [1, 1]} : vector<1x256xf32> to vector<1x64xf32>
      %logistic3A_391 = arith.negf %slice3A_390 : vector<1x64xf32>
      %logistic3A_392 = math.exp %logistic3A_391 : vector<1x64xf32>
      %logistic3A_393 = arith.constant 1.000000e+00 : f32
      %logistic3A_394 = vector.broadcast %logistic3A_393 : f32 to vector<1x64xf32>
      %logistic3A_395 = arith.addf %logistic3A_394, %logistic3A_392 : vector<1x64xf32>
      %logistic3A_396 = arith.divf %logistic3A_394, %logistic3A_395 : vector<1x64xf32>
      %slice3A_397 = vector.extract_strided_slice %add3A_389 {offsets = [0, 64], sizes = [1, 64], strides = [1, 1]} : vector<1x256xf32> to vector<1x64xf32>
      %logistic3A_398 = arith.negf %slice3A_397 : vector<1x64xf32>
      %logistic3A_399 = math.exp %logistic3A_398 : vector<1x64xf32>
      %logistic3A_400 = arith.constant 1.000000e+00 : f32
      %logistic3A_401 = vector.broadcast %logistic3A_400 : f32 to vector<1x64xf32>
      %logistic3A_402 = arith.addf %logistic3A_401, %logistic3A_399 : vector<1x64xf32>
      %logistic3A_403 = arith.divf %logistic3A_401, %logistic3A_402 : vector<1x64xf32>
      %slice3A_404 = vector.extract_strided_slice %add3A_389 {offsets = [0, 128], sizes = [1, 64], strides = [1, 1]} : vector<1x256xf32> to vector<1x64xf32>
      %tanh3A_405 = math.tanh %slice3A_404 : vector<1x64xf32>
      %slice3A_406 = vector.extract_strided_slice %add3A_389 {offsets = [0, 192], sizes = [1, 64], strides = [1, 1]} : vector<1x256xf32> to vector<1x64xf32>
      %logistic3A_407 = arith.negf %slice3A_406 : vector<1x64xf32>
      %logistic3A_408 = math.exp %logistic3A_407 : vector<1x64xf32>
      %logistic3A_409 = arith.constant 1.000000e+00 : f32
      %logistic3A_410 = vector.broadcast %logistic3A_409 : f32 to vector<1x64xf32>
      %logistic3A_411 = arith.addf %logistic3A_410, %logistic3A_408 : vector<1x64xf32>
      %logistic3A_412 = arith.divf %logistic3A_410, %logistic3A_411 : vector<1x64xf32>
      %mul3A_413 = arith.mulf %logistic3A_403, %add3A_351 : vector<1x64xf32>
      %mul3A_414 = arith.mulf %logistic3A_396, %tanh3A_405 : vector<1x64xf32>
      %add3A_415 = arith.addf %mul3A_413, %mul3A_414 : vector<1x64xf32>
      %tanh3A_416 = math.tanh %add3A_415 : vector<1x64xf32>
      %mul3A_417 = arith.mulf %logistic3A_412, %tanh3A_416 : vector<1x64xf32>
      %slice3A_418 = vector.extract_strided_slice %get3A_37 {offsets = [6, 0], sizes = [1, 512], strides = [1, 1]} : vector<8x512xf32> to vector<1x512xf32>
      %dot_general3A_419 = arith.constant dense<0.000000e+00> : vector<1x512xf32>
      %dot_general3A_420 = tpu.matmul %mul3A_385, %get3A_1, %dot_general3A_419 {dimension_numbers = #tpu.dot_dimension_numbers<[1], [0], [0], [1], [0, 0, 1, 1], [], []>, transpose_lhs_hint = false} : vector<1x128xf32>, vector<128x512xf32>, vector<1x512xf32> -> vector<1x512xf32>
      %add3A_421 = arith.addf %slice3A_418, %dot_general3A_420 : vector<1x512xf32>
      %slice3A_422 = vector.extract_strided_slice %add3A_421 {offsets = [0, 0], sizes = [1, 128], strides = [1, 1]} : vector<1x512xf32> to vector<1x128xf32>
      %logistic3A_423 = arith.negf %slice3A_422 : vector<1x128xf32>
      %logistic3A_424 = math.exp %logistic3A_423 : vector<1x128xf32>
      %logistic3A_425 = arith.constant 1.000000e+00 : f32
      %logistic3A_426 = vector.broadcast %logistic3A_425 : f32 to vector<1x128xf32>
      %logistic3A_427 = arith.addf %logistic3A_426, %logistic3A_424 : vector<1x128xf32>
      %logistic3A_428 = arith.divf %logistic3A_426, %logistic3A_427 : vector<1x128xf32>
      %slice3A_429 = vector.extract_strided_slice %add3A_421 {offsets = [0, 128], sizes = [1, 128], strides = [1, 1]} : vector<1x512xf32> to vector<1x128xf32>
      %logistic3A_430 = arith.negf %slice3A_429 : vector<1x128xf32>
      %logistic3A_431 = math.exp %logistic3A_430 : vector<1x128xf32>
      %logistic3A_432 = arith.constant 1.000000e+00 : f32
      %logistic3A_433 = vector.broadcast %logistic3A_432 : f32 to vector<1x128xf32>
      %logistic3A_434 = arith.addf %logistic3A_433, %logistic3A_431 : vector<1x128xf32>
      %logistic3A_435 = arith.divf %logistic3A_433, %logistic3A_434 : vector<1x128xf32>
      %slice3A_436 = vector.extract_strided_slice %add3A_421 {offsets = [0, 256], sizes = [1, 128], strides = [1, 1]} : vector<1x512xf32> to vector<1x128xf32>
      %tanh3A_437 = math.tanh %slice3A_436 : vector<1x128xf32>
      %slice3A_438 = vector.extract_strided_slice %add3A_421 {offsets = [0, 384], sizes = [1, 128], strides = [1, 1]} : vector<1x512xf32> to vector<1x128xf32>
      %logistic3A_439 = arith.negf %slice3A_438 : vector<1x128xf32>
      %logistic3A_440 = math.exp %logistic3A_439 : vector<1x128xf32>
      %logistic3A_441 = arith.constant 1.000000e+00 : f32
      %logistic3A_442 = vector.broadcast %logistic3A_441 : f32 to vector<1x128xf32>
      %logistic3A_443 = arith.addf %logistic3A_442, %logistic3A_440 : vector<1x128xf32>
      %logistic3A_444 = arith.divf %logistic3A_442, %logistic3A_443 : vector<1x128xf32>
      %mul3A_445 = arith.mulf %logistic3A_435, %add3A_383 : vector<1x128xf32>
      %mul3A_446 = arith.mulf %logistic3A_428, %tanh3A_437 : vector<1x128xf32>
      %add3A_447 = arith.addf %mul3A_445, %mul3A_446 : vector<1x128xf32>
      %tanh3A_448 = math.tanh %add3A_447 : vector<1x128xf32>
      %mul3A_449 = arith.mulf %logistic3A_444, %tanh3A_448 : vector<1x128xf32>
      %concatenate3A_450 = tpu.concatenate %mul3A_449, %mul3A_417 in 1 : vector<1x128xf32>, vector<1x64xf32> -> vector<1x192xf32>
      %dot_general3A_451 = arith.constant dense<0.000000e+00> : vector<1x256xf32>
      %dot_general3A_452 = tpu.matmul %concatenate3A_450, %concatenate3A, %dot_general3A_451 {dimension_numbers = #tpu.dot_dimension_numbers<[1], [0], [0], [1], [0, 0, 1, 1], [], []>, transpose_lhs_hint = false} : vector<1x192xf32>, vector<192x256xf32>, vector<1x256xf32> -> vector<1x256xf32>
      %add3A_453 = arith.addf %dot_general3A_452, %get3A_10 : vector<1x256xf32>
      %slice3A_454 = vector.extract_strided_slice %add3A_453 {offsets = [0, 0], sizes = [1, 64], strides = [1, 1]} : vector<1x256xf32> to vector<1x64xf32>
      %logistic3A_455 = arith.negf %slice3A_454 : vector<1x64xf32>
      %logistic3A_456 = math.exp %logistic3A_455 : vector<1x64xf32>
      %logistic3A_457 = arith.constant 1.000000e+00 : f32
      %logistic3A_458 = vector.broadcast %logistic3A_457 : f32 to vector<1x64xf32>
      %logistic3A_459 = arith.addf %logistic3A_458, %logistic3A_456 : vector<1x64xf32>
      %logistic3A_460 = arith.divf %logistic3A_458, %logistic3A_459 : vector<1x64xf32>
      %slice3A_461 = vector.extract_strided_slice %add3A_453 {offsets = [0, 64], sizes = [1, 64], strides = [1, 1]} : vector<1x256xf32> to vector<1x64xf32>
      %logistic3A_462 = arith.negf %slice3A_461 : vector<1x64xf32>
      %logistic3A_463 = math.exp %logistic3A_462 : vector<1x64xf32>
      %logistic3A_464 = arith.constant 1.000000e+00 : f32
      %logistic3A_465 = vector.broadcast %logistic3A_464 : f32 to vector<1x64xf32>
      %logistic3A_466 = arith.addf %logistic3A_465, %logistic3A_463 : vector<1x64xf32>
      %logistic3A_467 = arith.divf %logistic3A_465, %logistic3A_466 : vector<1x64xf32>
      %slice3A_468 = vector.extract_strided_slice %add3A_453 {offsets = [0, 128], sizes = [1, 64], strides = [1, 1]} : vector<1x256xf32> to vector<1x64xf32>
      %tanh3A_469 = math.tanh %slice3A_468 : vector<1x64xf32>
      %slice3A_470 = vector.extract_strided_slice %add3A_453 {offsets = [0, 192], sizes = [1, 64], strides = [1, 1]} : vector<1x256xf32> to vector<1x64xf32>
      %logistic3A_471 = arith.negf %slice3A_470 : vector<1x64xf32>
      %logistic3A_472 = math.exp %logistic3A_471 : vector<1x64xf32>
      %logistic3A_473 = arith.constant 1.000000e+00 : f32
      %logistic3A_474 = vector.broadcast %logistic3A_473 : f32 to vector<1x64xf32>
      %logistic3A_475 = arith.addf %logistic3A_474, %logistic3A_472 : vector<1x64xf32>
      %logistic3A_476 = arith.divf %logistic3A_474, %logistic3A_475 : vector<1x64xf32>
      %mul3A_477 = arith.mulf %logistic3A_467, %add3A_415 : vector<1x64xf32>
      %mul3A_478 = arith.mulf %logistic3A_460, %tanh3A_469 : vector<1x64xf32>
      %add3A_479 = arith.addf %mul3A_477, %mul3A_478 : vector<1x64xf32>
      %tanh3A_480 = math.tanh %add3A_479 : vector<1x64xf32>
      %mul3A_481 = arith.mulf %logistic3A_476, %tanh3A_480 : vector<1x64xf32>
      %slice3A_482 = vector.extract_strided_slice %get3A_37 {offsets = [7, 0], sizes = [1, 512], strides = [1, 1]} : vector<8x512xf32> to vector<1x512xf32>
      %dot_general3A_483 = arith.constant dense<0.000000e+00> : vector<1x512xf32>
      %dot_general3A_484 = tpu.matmul %mul3A_449, %get3A_1, %dot_general3A_483 {dimension_numbers = #tpu.dot_dimension_numbers<[1], [0], [0], [1], [0, 0, 1, 1], [], []>, transpose_lhs_hint = false} : vector<1x128xf32>, vector<128x512xf32>, vector<1x512xf32> -> vector<1x512xf32>
      %add3A_485 = arith.addf %slice3A_482, %dot_general3A_484 : vector<1x512xf32>
      %slice3A_486 = vector.extract_strided_slice %add3A_485 {offsets = [0, 0], sizes = [1, 128], strides = [1, 1]} : vector<1x512xf32> to vector<1x128xf32>
      %logistic3A_487 = arith.negf %slice3A_486 : vector<1x128xf32>
      %logistic3A_488 = math.exp %logistic3A_487 : vector<1x128xf32>
      %logistic3A_489 = arith.constant 1.000000e+00 : f32
      %logistic3A_490 = vector.broadcast %logistic3A_489 : f32 to vector<1x128xf32>
      %logistic3A_491 = arith.addf %logistic3A_490, %logistic3A_488 : vector<1x128xf32>
      %logistic3A_492 = arith.divf %logistic3A_490, %logistic3A_491 : vector<1x128xf32>
      %slice3A_493 = vector.extract_strided_slice %add3A_485 {offsets = [0, 128], sizes = [1, 128], strides = [1, 1]} : vector<1x512xf32> to vector<1x128xf32>
      %logistic3A_494 = arith.negf %slice3A_493 : vector<1x128xf32>
      %logistic3A_495 = math.exp %logistic3A_494 : vector<1x128xf32>
      %logistic3A_496 = arith.constant 1.000000e+00 : f32
      %logistic3A_497 = vector.broadcast %logistic3A_496 : f32 to vector<1x128xf32>
      %logistic3A_498 = arith.addf %logistic3A_497, %logistic3A_495 : vector<1x128xf32>
      %logistic3A_499 = arith.divf %logistic3A_497, %logistic3A_498 : vector<1x128xf32>
      %slice3A_500 = vector.extract_strided_slice %add3A_485 {offsets = [0, 256], sizes = [1, 128], strides = [1, 1]} : vector<1x512xf32> to vector<1x128xf32>
      %tanh3A_501 = math.tanh %slice3A_500 : vector<1x128xf32>
      %slice3A_502 = vector.extract_strided_slice %add3A_485 {offsets = [0, 384], sizes = [1, 128], strides = [1, 1]} : vector<1x512xf32> to vector<1x128xf32>
      %logistic3A_503 = arith.negf %slice3A_502 : vector<1x128xf32>
      %logistic3A_504 = math.exp %logistic3A_503 : vector<1x128xf32>
      %logistic3A_505 = arith.constant 1.000000e+00 : f32
      %logistic3A_506 = vector.broadcast %logistic3A_505 : f32 to vector<1x128xf32>
      %logistic3A_507 = arith.addf %logistic3A_506, %logistic3A_504 : vector<1x128xf32>
      %logistic3A_508 = arith.divf %logistic3A_506, %logistic3A_507 : vector<1x128xf32>
      %mul3A_509 = arith.mulf %logistic3A_499, %add3A_447 : vector<1x128xf32>
      %mul3A_510 = arith.mulf %logistic3A_492, %tanh3A_501 : vector<1x128xf32>
      %add3A_511 = arith.addf %mul3A_509, %mul3A_510 : vector<1x128xf32>
      %tanh3A_512 = math.tanh %add3A_511 : vector<1x128xf32>
      %mul3A_513 = arith.mulf %logistic3A_508, %tanh3A_512 : vector<1x128xf32>
      %concatenate3A_514 = tpu.concatenate %mul3A_513, %mul3A_481 in 1 : vector<1x128xf32>, vector<1x64xf32> -> vector<1x192xf32>
      %dot_general3A_515 = arith.constant dense<0.000000e+00> : vector<1x256xf32>
      %dot_general3A_516 = tpu.matmul %concatenate3A_514, %concatenate3A, %dot_general3A_515 {dimension_numbers = #tpu.dot_dimension_numbers<[1], [0], [0], [1], [0, 0, 1, 1], [], []>, transpose_lhs_hint = false} : vector<1x192xf32>, vector<192x256xf32>, vector<1x256xf32> -> vector<1x256xf32>
      %add3A_517 = arith.addf %dot_general3A_516, %get3A_10 : vector<1x256xf32>
      %slice3A_518 = vector.extract_strided_slice %add3A_517 {offsets = [0, 0], sizes = [1, 64], strides = [1, 1]} : vector<1x256xf32> to vector<1x64xf32>
      %logistic3A_519 = arith.negf %slice3A_518 : vector<1x64xf32>
      %logistic3A_520 = math.exp %logistic3A_519 : vector<1x64xf32>
      %logistic3A_521 = arith.constant 1.000000e+00 : f32
      %logistic3A_522 = vector.broadcast %logistic3A_521 : f32 to vector<1x64xf32>
      %logistic3A_523 = arith.addf %logistic3A_522, %logistic3A_520 : vector<1x64xf32>
      %logistic3A_524 = arith.divf %logistic3A_522, %logistic3A_523 : vector<1x64xf32>
      %slice3A_525 = vector.extract_strided_slice %add3A_517 {offsets = [0, 64], sizes = [1, 64], strides = [1, 1]} : vector<1x256xf32> to vector<1x64xf32>
      %logistic3A_526 = arith.negf %slice3A_525 : vector<1x64xf32>
      %logistic3A_527 = math.exp %logistic3A_526 : vector<1x64xf32>
      %logistic3A_528 = arith.constant 1.000000e+00 : f32
      %logistic3A_529 = vector.broadcast %logistic3A_528 : f32 to vector<1x64xf32>
      %logistic3A_530 = arith.addf %logistic3A_529, %logistic3A_527 : vector<1x64xf32>
      %logistic3A_531 = arith.divf %logistic3A_529, %logistic3A_530 : vector<1x64xf32>
      %slice3A_532 = vector.extract_strided_slice %add3A_517 {offsets = [0, 128], sizes = [1, 64], strides = [1, 1]} : vector<1x256xf32> to vector<1x64xf32>
      %tanh3A_533 = math.tanh %slice3A_532 : vector<1x64xf32>
      %slice3A_534 = vector.extract_strided_slice %add3A_517 {offsets = [0, 192], sizes = [1, 64], strides = [1, 1]} : vector<1x256xf32> to vector<1x64xf32>
      %logistic3A_535 = arith.negf %slice3A_534 : vector<1x64xf32>
      %logistic3A_536 = math.exp %logistic3A_535 : vector<1x64xf32>
      %logistic3A_537 = arith.constant 1.000000e+00 : f32
      %logistic3A_538 = vector.broadcast %logistic3A_537 : f32 to vector<1x64xf32>
      %logistic3A_539 = arith.addf %logistic3A_538, %logistic3A_536 : vector<1x64xf32>
      %logistic3A_540 = arith.divf %logistic3A_538, %logistic3A_539 : vector<1x64xf32>
      %mul3A_541 = arith.mulf %logistic3A_531, %add3A_479 : vector<1x64xf32>
      %mul3A_542 = arith.mulf %logistic3A_524, %tanh3A_533 : vector<1x64xf32>
      %add3A_543 = arith.addf %mul3A_541, %mul3A_542 : vector<1x64xf32>
      %tanh3A_544 = math.tanh %add3A_543 : vector<1x64xf32>
      %mul3A_545 = arith.mulf %logistic3A_540, %tanh3A_544 : vector<1x64xf32>
      scf.yield %mul3A_513, %add3A_511, %mul3A_545, %add3A_543 : vector<1x128xf32>, vector<1x128xf32>, vector<1x64xf32>, vector<1x64xf32>
    }
    %scan3A_18 = arith.constant 64 : i32
    %get3A_19 = arith.constant 0 : index
    %get3A_20 = arith.constant 0 : index
    %get3A_21 = vector.load %arg5[%get3A_19, %get3A_20] : memref<64x10xf32, #tpu.memory_space<vmem>>, vector<64x10xf32>
    %dot_general3A = arith.constant dense<0.000000e+00> : vector<1x10xf32>
    %dot_general3A_22 = tpu.matmul %scan3A_17#2, %get3A_21, %dot_general3A {dimension_numbers = #tpu.dot_dimension_numbers<[1], [0], [0], [1], [0, 0, 1, 1], [], []>, transpose_lhs_hint = false} : vector<1x64xf32>, vector<64x10xf32>, vector<1x10xf32> -> vector<1x10xf32>
    %get3A_23 = arith.constant 0 : index
    %get3A_24 = arith.constant 0 : index
    %get3A_25 = vector.load %arg6[%get3A_23, %get3A_24] : memref<1x10xf32, #tpu.memory_space<vmem>>, vector<1x10xf32>
    %add3A = arith.addf %dot_general3A_22, %get3A_25 : vector<1x10xf32>
    %swap3A = arith.constant 0 : index
    %swap3A_26 = arith.constant 0 : index
    %swap3A_27 = vector.load %arg7[%swap3A, %swap3A_26] : memref<1x10xf32, #tpu.memory_space<vmem>>, vector<1x10xf32>
    tpu.vector_store %arg7[%swap3A, %swap3A_26], %add3A {strides = array<i32>} : memref<1x10xf32, #tpu.memory_space<vmem>>, vector<1x10xf32>,
    return
  }
}

</mosaic_0001>

<sc_bundles>
// kernel: sparse-core-data-format-call.cloned.1.call-start
scs
called_computation_lowered:
.L_overlay_start_0:
0x0: {  	s1 =	sld [smem:$0x3FD9]  }
0x1: {  	s2 =	sld [smem:$0x3FFE];
	_ =	sdelay $0x1  }
0x2: {  	s3 =	srdreg.scid  }
0x3: {  	s0 =	sand.u32 $0x1, s3  }
0x4: {  	s17 =	sshll.u32 s0, $0xA;
	s1 =	sadd.s32 s2, s1  }
0x5: {  	s1 =	sadd.s32 s1, s17  }
0x6: {  	[smem:$0x3FB1] =	sst s1  }
0x7: {  	_ = 	snop  }
0x8: {  	(tm) =	ssettm $0x1  }
0x9: {  	s18 =	sld [smem:$0x3FFB];
	_ =	sdelay $0x3  }
0xa: {  	_ =	strace s18  }
0xb: {  	s1 =	sld [smem:$0x3FFC];
	_ =	sdelay $0x3  }
0xc: {  	_ =	strace s1  }
0xd: {  	s1 =	sld [smem:$0x3FFD];
	_ =	sdelay $0x3  }
0xe: {  	_ =	strace s1  }
0xf: {  	_ =	strace $0x8FFFFFFF  }
0x10: {  	s19 =	sld [smem:$0x3FDB];
	_ =	sdelay $0x1  }
0x11: {  	s20 =	simm.s32 $_scs_section_size  }
0x12: {  	s4 =	simm.s32 $_size__tile_overlayer_lowered;
	s5 =	simm.s32 $_tile_overlayer_lowered  }
0x13: {  	s23 =	simm.s32 $0x1BFF;
	s22 =	sshll.u32 s5, $0x1;
	s1 =	sadd.s32 s20, s19  }
0x14: {  	s6 =	simm.s32 $0x0;
	s21 =	sshll.u32 s4, $0x1;
	s4 =	sadd.s32 s22, s1  }
0x15: {  	[timem:s6], [sflag:s23] =	dma.local [hbm:s4], s21  }
0x16: {  	_ =	swait.ge [sflag:s23], s21  }
0x17: {  	s2 =	ssub.s32 $0x0, s21;
	[sflag:s23] =	ssyncset.done $0x0  }
0x18: {  	[sflag:s23] =	ssyncadd.s32 s2;
	_ =	sdelay $0x1  }
0x19: {  	s24 =	simm.s32 $0x1B8B  }
0x1a: {  	_ =	swait.ge [sflag:s24], $0x1  }
0x1b: {  	[sflag:s24] =	ssyncset.done $0x0  }
0x1c: {  	s26 =	simm.s32 $0x1B8E;
	s25 =	sld [smem:$0x3FFE];
	[sflag:s24] =	ssyncadd.s32 $0xFFFFFFFF  }
0x1d: {  	s27 =	simm.s32 $execute0_lowered;
	[smem:$0x3FD2] =	sst s26  }
0x1e: {  	s4 =	sshll.u32 s27, $0x1;
	_ =	strace $0x80000046;
	[dreg:$0x1] =	wrdreg $0xFFFFFFFF  }
0x1f: {  	s28 =	simm.s32 $_size_execute0_lowered;
	s1 =	sadd.s32 s1, s4;
	[dreg:$0x0] =	wrdreg $0x0  }
0x20: {  	s4 =	sshll.u32 s28, $0x1;
	[dreg:$0x2] =	wrdreg s1  }
0x21: {  	[dreg:$0x3] =	wrdreg s4  }
0x22: {  	[dreg:$0x4] =	wrdreg $0xC0  }
0x23: {  	_ =	task [dreg:s6], $0x5FFFF  }
0x24: {  	[dreg:$0x1] =	wrdreg $0xFFFFFFFF  }
0x25: {  	[dreg:$0x0] =	wrdreg $0x60  }
0x26: {  	[dreg:$0x2] =	wrdreg s25  }
0x27: {  	[dreg:$0x3] =	wrdreg $0x9  }
0x28: {  	_ =	task.clear_ibuf [dreg:s6], $0x4FFFF;
	_ =	strace $0x90000046  }
0x29: {  	s29 =	simm.s32 $0x9;
	_ =	strace $0x80000048  }
0x2a: {  	_ =	swait.ge [sflag:s29], $0x1  }
0x2b: {  	[sflag:s29] =	ssyncadd.s32 $0xFFFFFFFF  }
0x2c: {  	_ =	strace $0x90000048  }
0x2d: {  	_ =	sfence  }
0x2e: {  	s30 =	sld [smem:$0x0];
	_ =	sdelay $0x2  }
0x2f: {  	s31 =	sshll.u32 s3, $0xD;
	s3 =	sshrl.u32 s3, $0x2  }
0x30: {  	s2 =	sand.u32 $0x4000, s31;
	s1 =	sadd.s32 s3, s30  }
0x31: {  	s0 =	sor.u32 s2, s0;
	s1 =	sshll.u32 s1, $0x11  }
0x32: {  	s0 =	sor.u32 s1, s0  }
0x33: {  	s0 =	sadd.s32 $0x8F2B, s0  }
0x34: {  	[sflag:s0] =	ssyncadd.remote.s32 $0x1  }
0x35: {  	_ =	sfence.sel $0xFFFF  }
0x36: {  	[dreg:$0x0] =	wrdreg $0xFFFFFFFF;
	(pc) =	sbr.abs _section_cstart, $3  }
0x37: {  	[dreg:$0x1] =	wrdreg $0xFFFFFFFF  }
0x38: {  	_ =	task.clear_ibuf [dreg:s6], $0x2FFFF;
	_ =	strace $0x9FFFFFFF  }
0x39: {  	(tm) =	ssettm $0x7FFFFFFF  }
tec
execute0_lowered:
.L_overlay_start_1:
0x0: {  	(tag) =	ssettag $0x1  }
0x1: {  	s0 =	stileid.u32;
	s1 =	srdreg.scid  }
0x2: {  	s8 =	rddreg [dreg:$0x0];
	s11 =	simm.s32 $0x1;
	s31 =	simm.s32 $0x2  }
0x3: {  	s19 =	simm.s32 $0x0;
	s12 =	simm.s32 $0x1000;
	s13 =	simm.s32 $0x0  }
0x4: {  	s17 =	simm.s32 $0x0;
	s18 =	simm.s32 $0x0;
	s16 =	simm.s32 $0x0  }
0x5: {  	s2 =	sshll.u32 s1, $0x4;
	s3 =	sshll.u32 s0, $0x7;
	s1 =	rddreg [dreg:$0x1]  }
0x6: {  	_ =	strace $0x80000047;
	s4 =	sand.u32 $0x10, s2;
	s2 =	sand.u32 $0x180, s3  }
0x7: {  	s5 =	sshrl.u32 s0, $0x2;
	s9 =	sor.u32 s0, s4;
	s26 =	ssub.s32 $0x200, s2  }
0x8: {  	s4 =	sand.u32 $0x1, s5;
	s27 =	sshll.u32 s9, $0x4;
	s6 =	sand.u32 $0x180, s26  }
0x9: {  	s3 =	sand.u32 $0x180, s27;
	p0 =	sne.s32 s6, $0x0;
	s6 =	simm.s32 $0x1  }
0xa: {  	s7 =	sshrl.u32 s26, $0x9;
	s6 =	simm.s32 @!p0 $0x0;
	s10 =	ssub.s32 $0x200, s3  }
0xb: {  	s30 =	sxor.u32 $0x11, s4;
	s28 =	sadd.s32 s6, s7;
	s29 =	sand.u32 $0x180, s10  }
0xc: {  	s5 =	sadd.s32 $0x2C00, s8;
	p0 =	sne.s32 s29, $0x0;
	s7 =	smul.u32 s30, s28  }
.Ltmp0:
0xd: {  	s10 =	sshrl.u32 s10, $0x9;
	s11 =	simm.s32 @!p0 $0x0;
	(pc) =	sbr.rel .LBB1_1-.Ltmp0, $4  }
0xe: {  	s8 =	sadd.s32 $0x142C00, s8;
	s15 =	smov.u32 s2;
	s10 =	sadd.s32 s11, s10  }
0xf: {  	s9 =	sshll.u32 s9, $0x7;
	s6 =	simm.s32 $0x1;
	s7 =	smul.u32 s10, s7  }
0x10: {  	s14 =	smov.u32 s4;
	s9 =	sand.u32 $0xC00, s9;
	[sflag:s6] =	ssyncpa.u1 $0x0  }
0x11: {  	[sflag:s31] =	ssyncpa.u1 $0x0;
	s11 =	simm.s32 $0x400;
	s10 =	sadd.s32 $0x1, s7  }
.LBB1_4:
0x12: {  	_ =	sdelay $0x3  }
0x13: {  	[tilespmem:v0+s22+$0xFFFFFFD0 ss:$0x1] =	vst.idx.msk $0xffff, v6  }
0x14: {  	v56 =	vld.idx.msk [tilespmem:v1+s21+$0x0 ss:$0x1], $0xffff;
	[tilespmem:v0+s22+$0xFFFFFFE0 ss:$0x1] =	vst.idx.msk $0xffff, v4  }
0x15: {  	v57 =	vld.idx.msk [tilespmem:v1+s21+$0xFFFFFF90 ss:$0x1], $0xffff;
	[tilespmem:v0+s22+$0xFFFFFFF0 ss:$0x1] =	vst.idx.msk $0xffff, v2  }
0x16: {  	v58 =	vld.idx.msk [tilespmem:v1+s21+$0xFFFFFFA0 ss:$0x1], $0xffff;
	[tilespmem:v0+s22+$0x0 ss:$0x1] =	vst.idx.msk $0xffff, v3  }
0x17: {  	v59 =	vld.idx.msk [tilespmem:v1+s21+$0xFFFFFFB0 ss:$0x1], $0xffff;
	[tilespmem:v0+s22+$0x10 ss:$0x1] =	vst.idx.msk $0xffff, v5  }
0x18: {  	v60 =	vld.idx.msk [tilespmem:v1+s21+$0xFFFFFFC0 ss:$0x1], $0xffff;
	[tilespmem:v0+s22+$0x20 ss:$0x1] =	vst.idx.msk $0xffff, v7  }
0x19: {  	v61 =	vld.idx.msk [tilespmem:v1+s21+$0xFFFFFFD0 ss:$0x1], $0xffff;
	[tilespmem:v0+s21+$0x30 ss:$0x1] =	vst.idx.msk $0xffff, v56  }
0x1a: {  	v62 =	vld.idx.msk [tilespmem:v1+s21+$0xFFFFFFE0 ss:$0x1], $0xffff;
	s29 =	sshll.u32 s18, $0x9;
	[tilespmem:v0+s21+$0xFFFFFFC0 ss:$0x1] =	vst.idx.msk $0xffff, v57  }
0x1b: {  	v63 =	vld.idx.msk [tilespmem:v1+s21+$0xFFFFFFF0 ss:$0x1], $0xffff;
	s19 =	sshll.u32 s19, $0x3;
	s23 =	sshll.u32 s18, $0x7;
	s22 =	sand.u32 $0x3F000, s29;
	[tilespmem:v0+s21+$0xFFFFFFD0 ss:$0x1] =	vst.idx.msk $0xffff, v58  }
0x1c: {  	s30 =	sand.u32 $0x200, s23;
	s19 =	sor.u32 s22, s19;
	[tilespmem:v0+s21+$0xFFFFFFE0 ss:$0x1] =	vst.idx.msk $0xffff, v59  }
0x1d: {  	s17 =	sshll.u32 s17, $0xF;
	s31 =	sshll.u32 s18, $0x4;
	s19 =	sor.u32 s30, s19;
	[tilespmem:v0+s21+$0xFFFFFFF0 ss:$0x1] =	vst.idx.msk $0xffff, v60  }
0x1e: {  	s18 =	sand.u32 $0x30, s31;
	s17 =	sadd.s32 s8, s17;
	s19 =	sshrl.u32 s19, $0x3;
	[tilespmem:v0+s21+$0x0 ss:$0x1] =	vst.idx.msk $0xffff, v61  }
0x1f: {  	s17 =	sadd.s32 s18, s17;
	[tilespmem:v0+s21+$0x10 ss:$0x1] =	vst.idx.msk $0xffff, v62;
	s19 =	sand.u32 $0x7FC0, s19  }
0x20: {  	[tilespmem:v0+s21+$0x20 ss:$0x1] =	vst.idx.msk $0xffff, v63;
	s17 =	sadd.s32 s19, s17  }
0x21: {  	[hbm4b:s17+s11] =	stream.strided.scatter [tilespmem:s20], [sflag:$0x2], $0x4000, s12, s11, $0x38;
	[tilespmem:$0x10000] =	vst v63  }
.LBB1_5:
0x22: {  	s20 =	sadd.s32 $0x2, s14  }
0x23: {  	s17 =	sadd.s32 $0x200, s15;
	s21 =	smov.u32 s15;
	p1 =	sgt.s32 s20, $0x20  }
0x24: {  	s21 =	smov.u32 @p1 s17  }
0x25: {  	s20 =	smov.u32 @p1 s4;
	p1 =	sgt.s32 s21, $0x1FF  }
0x26: {  	s21 =	smov.u32 @p1 s2;
	p1 =	sne.s32 s16, s10  }
.Ltmp1:
0x27: {  	p0 =	slt.u32 s16, $0x2;
	(pc) =	sbr.rel @!p1 .LBB1_6-.Ltmp1, $4  }
0x28: {  	s18 =	smov.u32 s15;
	s19 =	simm.s32 @!p0 $0x2  }
0x29: {  	s13 =	sadd.s32 $0x4000, s13;
	_ =	swait.ge @!p0 [sflag:s19], $0x4000;
	s17 =	smov.u32 s14  }
0x2a: {  	[sflag:s19] =	ssyncset.done @!p0 $0x0;
	s14 =	smov.u32 s20;
	s16 =	sadd.s32 $0x1, s16  }
0x2b: {  	[sflag:s19] =	ssyncadd.s32 @!p0 $0xFFFFC000;
	s19 =	smov.u32 s3;
	s15 =	smov.u32 s21  }
.LBB1_1:
0x2c: {  	p0 =	sge.u32 s16, s7  }
0x2d: {  	s20 =	sshll.u32 @!p0 s14, $0x9  }
0x2e: {  	s21 =	sshll.u32 @!p0 s14, $0x7;
	s20 =	sand.u32 @!p0 $0xFFFFF000, s20  }
0x2f: {  	s21 =	sand.u32 @!p0 $0x200, s21;
	s20 =	sor.u32 @!p0 s9, s20  }
0x30: {  	s20 =	sor.u32 @!p0 s21, s20  }
0x31: {  	s20 =	sshrl.u32 @!p0 s20, $0x9  }
0x32: {  	s21 =	smulhi.u32 @!p0 $0x6666667, s20;
	_ =	sdelay $0x1  }
0x33: {  	s21 =	smul.u32 @!p0 $0x28, s21  }
0x34: {  	s31 =	sadd.s32 $0xFFFFFFFF, s16;
	s22 =	smul.u32 @!p0 $0xA00, s15  }
0x35: {  	s23 =	sxor.u32 @!p0 $0xFFFFFFFF, s16;
	s20 =	ssub.s32 @!p0 s20, s21;
	s21 =	sshll.u32 @!p0 s14, $0x4  }
0x36: {  	s23 =	sshll.u32 @!p0 s23, $0xE;
	s22 =	sadd.s32 @!p0 s5, s22;
	s21 =	sand.u32 @!p0 $0x30, s21  }
0x37: {  	s23 =	sand.u32 @!p0 $0x4000, s23;
	s20 =	sshll.u32 @!p0 s20, $0x6;
	s21 =	sadd.s32 @!p0 s21, s22  }
0x38: {  	s22 =	simm.s32 @!p0 $0x5000;
	s20 =	sadd.s32 @!p0 s20, s21;
	s21 =	simm.s32 @!p0 $0x80  }
0x39: {  	[tilespmem:s23], [sflag:$0x1] =	stream.strided.gather @!p0 [hbm4b:s20+s21], $0x4000, s22, s21, $0x38;
	[tilespmem:$0x10000] =	vst v63  }
0x3a: {  	p0 =	sge.u32 s31, s7  }
.Ltmp2:
0x3b: {  	_ = 	snop;
	(pc) =	sbr.rel @p0 .LBB1_5-.Ltmp2, $1  }
0x3c: {  	_ =	sdelay $0x3  }
0x3d: {  	s20 =	sand.u32 $0x4000, s13  }
0x3e: {  	s21 =	sor.u32 $0x70, s20  }
0x3f: {  	v1 =	vmov s21;
	_ =	sdelay $0x1  }
0x40: {  	_ =	swait.ge [sflag:s6], $0x4000  }
0x41: {  	[sflag:s6] =	ssyncset.done $0x0  }
0x42: {  	s22 =	simm.s32 $0x0;
	[sflag:s6] =	ssyncadd.s32 $0xFFFFC000  }
0x43: {  	s20 =	sor.u32 $0x8040, s20;
	v7 =	vld.idx.msk [tilespmem:v1+s22+$0x0 ss:$0x1], $0xffff  }
0x44: {  	v0 =	vmov s20;
	v8 =	vld.idx.msk [tilespmem:v1+s22+$0xFFFFFF90 ss:$0x1], $0xffff  }
0x45: {  	v6 =	vld.idx.msk [tilespmem:v1+s22+$0xFFFFFFA0 ss:$0x1], $0xffff  }
0x46: {  	v4 =	vld.idx.msk [tilespmem:v1+s22+$0xFFFFFFB0 ss:$0x1], $0xffff  }
0x47: {  	v2 =	vld.idx.msk [tilespmem:v1+s22+$0xFFFFFFC0 ss:$0x1], $0xffff  }
0x48: {  	s31 =	sshll.u32 s16, $0xE;
	v3 =	vld.idx.msk [tilespmem:v1+s22+$0xFFFFFFD0 ss:$0x1], $0xffff  }
0x49: {  	s20 =	sand.u32 $0x4000, s31;
	v5 =	vld.idx.msk [tilespmem:v1+s22+$0xFFFFFFE0 ss:$0x1], $0xffff;
	[tilespmem:v0+s22+$0x30 ss:$0x1] =	vst.idx.msk $0xffff, v7  }
0x4a: {  	s23 =	simm.s32 $0x400;
	s21 =	simm.s32 $0x80;
	s20 =	sor.u32 $0x8000, s20;
	[tilespmem:v0+s22+$0xFFFFFFC0 ss:$0x1] =	vst.idx.msk $0xffff, v8;
	v7 =	vld.idx.msk [tilespmem:v1+s22+$0xFFFFFFF0 ss:$0x1], $0xffff  }
.LBB1_3:
0x4b: {  	p0 =	sne.s32 s23, $0xFE00;
	v8 =	vld.idx.msk [tilespmem:v1+s21+$0x0 ss:$0x1], $0xffff;
	[tilespmem:v0+s22+$0xFFFFFFD0 ss:$0x1] =	vst.idx.msk $0xffff, v6  }
0x4c: {  	v9 =	vld.idx.msk [tilespmem:v1+s21+$0xFFFFFF90 ss:$0x1], $0xffff;
	[tilespmem:v0+s22+$0xFFFFFFE0 ss:$0x1] =	vst.idx.msk $0xffff, v4  }
0x4d: {  	v6 =	vld.idx.msk [tilespmem:v1+s21+$0xFFFFFFA0 ss:$0x1], $0xffff;
	[tilespmem:v0+s22+$0xFFFFFFF0 ss:$0x1] =	vst.idx.msk $0xffff, v2  }
.Ltmp3:
0x4e: {  	v4 =	vld.idx.msk [tilespmem:v1+s21+$0xFFFFFFB0 ss:$0x1], $0xffff;
	[tilespmem:v0+s22+$0x0 ss:$0x1] =	vst.idx.msk $0xffff, v3;
	(pc) =	sbr.rel @p0 .LBB1_3-.Ltmp3, $4  }
0x4f: {  	v2 =	vld.idx.msk [tilespmem:v1+s21+$0xFFFFFFC0 ss:$0x1], $0xffff;
	[tilespmem:v0+s22+$0x10 ss:$0x1] =	vst.idx.msk $0xffff, v5  }
0x50: {  	v3 =	vld.idx.msk [tilespmem:v1+s21+$0xFFFFFFD0 ss:$0x1], $0xffff;
	[tilespmem:v0+s22+$0x20 ss:$0x1] =	vst.idx.msk $0xffff, v7;
	s22 =	smov.u32 s21  }
0x51: {  	v5 =	vld.idx.msk [tilespmem:v1+s22+$0xFFFFFFE0 ss:$0x1], $0xffff;
	[tilespmem:v0+s22+$0x30 ss:$0x1] =	vst.idx.msk $0xffff, v8  }
0x52: {  	s21 =	sshra.s32 s23, $0x2;
	s23 =	sadd.s32 $0x200, s23;
	[tilespmem:v0+s22+$0xFFFFFFC0 ss:$0x1] =	vst.idx.msk $0xffff, v9;
	v7 =	vld.idx.msk [tilespmem:v1+s22+$0xFFFFFFF0 ss:$0x1], $0xffff  }
.Ltmp4:
0x53: {  	_ = 	snop;
	(pc) =	sbr.rel .LBB1_4-.Ltmp4, $1  }
0x54: {  	_ =	sdelay $0x3  }
.LBB1_6:
0x55: {  	_ =	sfence.sel $0x180000  }
0x56: {  	s2 =	simm.s32 $0x1;
	[bflag:$0x0] =	sbarrier.arrive $0xFFFF  }
0x57: {  	s31 =	simm.s32 $0x2;
	[sflag:s2] =	ssyncpa.u1 $0x1  }
0x58: {  	[sflag:s31] =	ssyncpa.u1 $0x1  }
0x59: {  	p0 =	sne.s32 s0, $0x0;
	_ =	strace $0x90000047  }
0x5a: {  	s0 =	sadd.s32 @!p0 $0x100000, s1;
	[bflag:$0x2] =	sbarrier.arrive $0xFFFF  }
0x5b: {  	[sflag:s0] =	ssyncadd.tile.s32 @!p0 $0x1;
	_ =	shalt  }
.Lfunc_end1:
_tile_overlayer_lowered:
.L_overlay_start_2:
0x5c: {  	(tag) =	ssettag $0x2  }
0x5d: {  	s0 =	rddreg [dreg:$0x0];
	s2 =	stileid.u32  }
0x5e: {  	s1 =	rddreg [dreg:$0x1];
	p0 =	sne.s32 s2, $0x0  }
0x5f: {  	s3 =	rddreg [dreg:$0x2];
	[bflag:$0x3] =	sbarrier.arrive $0xFFFF;
	s2 =	simm.s32 @!p0 $0x1C01  }
0x60: {  	[timem:s3], [sflag:s2] =	dma.local @!p0 [hbm:s0], s1  }
0x61: {  	s0 =	simm.s32 @!p0 $0x1  }
0x62: {  	_ =	swait.ge @!p0 [sflag:s0], s1  }
0x63: {  	s1 =	ssub.s32 @!p0 $0x0, s1;
	[sflag:s0] =	ssyncset.done @!p0 $0x0  }
0x64: {  	[sflag:s0] =	ssyncadd.s32 @!p0 s1  }
0x65: {  	[bflag:$0x3] =	sbarrier.arrive $0xFFFF  }
0x66: {  	_ =	shalt  }

</sc_bundles>
